<compile_context>
chip_gen: v7x
topology: tpu7x:2x2x1
jax: 0.10.2.dev20260603
libtpu: 0.0.44.dev20260713+nightly
codegen_flags: <defaults>
</compile_context>

<pallas_src>
import functools

import jax
import jax.numpy as jnp
from jax import lax
from jax.experimental import pallas as pl
from jax.experimental.pallas import tpu as pltpu
from jax.experimental.pallas import tpu_sc as plsc

_N = 10000
_E = 320000
_D = 128
_F = 16
_NC = 2
_NS = 16
_NW = _NC * _NS
_CH = 80
_NCHUNK = 125
_EPW = _NCHUNK * _CH
_RPS = 632
_NP = _NS * _RPS


_U = 5
_K = 4


def _spmm_sc(table, src, dst, zeros):
    mesh = plsc.VectorSubcoreMesh(core_axis_name="c", subcore_axis_name="s")

    @functools.partial(
        pl.kernel,
        mesh=mesh,
        out_type=jax.ShapeDtypeStruct((_NC, _NP, _F), jnp.float32),
        scratch_types=[
            pltpu.VMEM((_NCHUNK, _CH), jnp.int32),
            pltpu.VMEM((_NCHUNK, _CH), jnp.int32),
            pltpu.VMEM((_U, _CH, _F), jnp.float32),
            pltpu.VMEM_SHARED((_NP, _F), jnp.float32),
            [pltpu.SemaphoreType.DMA] * _U,
            [pltpu.SemaphoreType.DMA] * _U,
            [pltpu.SemaphoreType.DMA] * 3,
        ],
        compiler_params=pltpu.CompilerParams(use_tc_tiling_on_sc=False),
    )
    def k(table_h, srcs_h, dsts_h, zeros_h, out_h, sidx2, didx2, rows,
          acc, gsem, ssem, psem):
        c = lax.axis_index("c")
        s = lax.axis_index("s")
        wid = s * _NC + c
        pltpu.async_copy(zeros_h.at[pl.ds(s * _RPS, _RPS)],
                         acc.at[pl.ds(s * _RPS, _RPS)], psem[0])
        pltpu.async_copy(srcs_h.at[wid], sidx2, psem[1])
        pltpu.async_copy(dsts_h.at[wid], didx2, psem[2])
        pltpu.make_async_copy(srcs_h.at[wid], sidx2, psem[1]).wait()
        pltpu.make_async_copy(dsts_h.at[wid], didx2, psem[2]).wait()

        def gather_start(chunk, b):
            pltpu.async_copy(table_h.at[sidx2.at[chunk]], rows.at[b],
                             gsem[b])

        def gather_wait(chunk, b):
            pltpu.make_async_copy(table_h.at[sidx2.at[chunk]], rows.at[b],
                                  gsem[b]).wait()

        def scatter_start(chunk, b):
            pltpu.async_copy(rows.at[b], acc.at[didx2.at[chunk]], ssem[b],
                             add=True)

        def scatter_wait(chunk, b):
            pltpu.make_async_copy(rows.at[b], acc.at[didx2.at[chunk]],
                                  ssem[b]).wait()

        for b in range(_K):
            gather_start(b, b)
        pltpu.make_async_copy(zeros_h.at[pl.ds(s * _RPS, _RPS)],
                              acc.at[pl.ds(s * _RPS, _RPS)], psem[0]).wait()
        plsc.subcore_barrier()

        def outer(g, carry):
            for b in range(_U):
                cg = g * _U + b + _K
                cs = g * _U + b
                bs = b
                bg = (b + _K) % _U

                @pl.when(cg < _NCHUNK)
                def _():
                    @pl.when(cg >= _U)
                    def _():
                        scatter_wait(cg - _U, bg)
                    gather_start(cg, bg)

                gather_wait(cs, bs)
                scatter_start(cs, bs)
            return carry

        lax.fori_loop(0, _NCHUNK // _U, outer, 0)
        for b in range(_U):
            scatter_wait(_NCHUNK - _U + b, (_NCHUNK - _U + b) % _U)
        plsc.subcore_barrier()
        pltpu.sync_copy(acc.at[pl.ds(s * _RPS, _RPS)],
                        out_h.at[c, pl.ds(s * _RPS, _RPS)])

    return k(table, src, dst, zeros)


def _pad_edges(src, dst):
    pad = _EPW - _E // _NW
    srcs3 = jnp.pad(src.reshape(_NW, _E // _NW),
                    ((0, 0), (0, pad))).reshape(_NW, _NCHUNK, _CH)
    dsts3 = jnp.pad(dst.reshape(_NW, _E // _NW), ((0, 0), (0, pad)),
                    constant_values=_N).reshape(_NW, _NCHUNK, _CH)
    return srcs3, dsts3


def _tc_xw(X, W1):
    br = _N

    def body(x_ref, w_ref, o_ref):
        o_ref[...] = jnp.dot(x_ref[...], w_ref[...],
                             preferred_element_type=jnp.float32)

    return pl.pallas_call(
        body,
        grid=(_N // br,),
        in_specs=[
            pl.BlockSpec((br, _D), lambda i: (i, 0)),
            pl.BlockSpec((_D, _F), lambda i: (0, 0)),
        ],
        out_specs=pl.BlockSpec((br, _F), lambda i: (i, 0)),
        out_shape=jax.ShapeDtypeStruct((_N, _F), jnp.float32),
    )(X, W1)


def _tc_sum_relu(p):
    br = _N

    def body(p_ref, o_ref):
        o_ref[...] = jnp.maximum(p_ref[0] + p_ref[1], 0.0)

    return pl.pallas_call(
        body,
        grid=(_N // br,),
        in_specs=[pl.BlockSpec((_NC, br, _F), lambda i: (0, i, 0))],
        out_specs=pl.BlockSpec((br, _F), lambda i: (i, 0)),
        out_shape=jax.ShapeDtypeStruct((_N, _F), jnp.float32),
    )(p)


def _tc_sum_mm2(q, W2, W3):
    br = _N
    h2 = W2.shape[1]

    def body(q_ref, w2_ref, w3_ref, o1_ref, o2_ref):
        s = q_ref[0] + q_ref[1]
        o1_ref[...] = jnp.dot(s, w2_ref[...],
                              preferred_element_type=jnp.float32)
        o2_ref[...] = jnp.dot(s, w3_ref[...],
                              preferred_element_type=jnp.float32)

    return pl.pallas_call(
        body,
        grid=(_N // br,),
        in_specs=[
            pl.BlockSpec((_NC, br, _F), lambda i: (0, i, 0)),
            pl.BlockSpec((_F, h2), lambda i: (0, 0)),
            pl.BlockSpec((_F, h2), lambda i: (0, 0)),
        ],
        out_specs=[
            pl.BlockSpec((br, h2), lambda i: (i, 0)),
            pl.BlockSpec((br, h2), lambda i: (i, 0)),
        ],
        out_shape=[
            jax.ShapeDtypeStruct((_N, h2), jnp.float32),
            jax.ShapeDtypeStruct((_N, h2), jnp.float32),
        ],
    )(q, W2, W3)


def kernel(X, edge_index, W1, W2, W3):
    srcs3, dsts3 = _pad_edges(edge_index[0], edge_index[1])
    zeros = jnp.zeros((_NP, _F), jnp.float32)
    t1 = _tc_xw(X, W1)
    p = _spmm_sc(t1, srcs3, dsts3, zeros)
    latent = _tc_sum_relu(p)
    q = _spmm_sc(latent, srcs3, dsts3, zeros)
    return _tc_sum_mm2(q, W2, W3)

# --- scband reference (transcript-rebuilt; emitter-appended) ---
"""Pipeline reference for scband-vgae-tfp2-23356032156163 (READ-ONLY COPY).

The authoritative reference and input builder live on the scoring server;
editing this copy changes nothing except your own understanding.
"""

import jax, jax.numpy as jnp
import numpy as np

N = 10000
E = 320000
D = 128
H1 = 16
H2 = 7


def setup_inputs(seed: int = 0) -> dict:
    key = jax.random.key(seed)
    k1, k2, k3, k4, k5 = jax.random.split(key, 5)
    X = jax.random.normal(k1, (N, D), dtype=jnp.float32)
    edge_index = jax.random.randint(k2, (2, E), 0, N, dtype=jnp.int32)
    # GraphConvolution kernels (glorot-ish scaled normals)
    W1 = jax.random.normal(k3, (D, H1), dtype=jnp.float32) * (1.0 / np.sqrt(D))
    W2 = jax.random.normal(k4, (H1, H2), dtype=jnp.float32) * (1.0 / np.sqrt(H1))
    W3 = jax.random.normal(k5, (H1, H2), dtype=jnp.float32) * (1.0 / np.sqrt(H1))
    return {"X": X, "edge_index": edge_index, "W1": W1, "W2": W2, "W3": W3}


def reference(X, edge_index, W1, W2, W3):
    # GraphConvolution: H_out = act(A_sparse @ (H_in @ W))
    # Sparse adjacency matmul realized as gather(src) + scatter-add(dst).
    src = edge_index[0]
    dst = edge_index[1]

    def spmm(Hm):
        msgs = jnp.take(Hm, src, axis=0)  # gather source-node rows
        return jnp.zeros((N, Hm.shape[1]), dtype=Hm.dtype).at[dst].add(msgs)

    # conv1: 16 units, relu
    latent = jax.nn.relu(spmm(X @ W1))
    # conv2 / conv3: 7 units, linear -> parameters of MultivariateNormalDiag
    z_mean = spmm(latent @ W2)
    z_log_std = spmm(latent @ W3)
    # The original returns tfd.MultivariateNormalDiag(loc=z_mean, scale_diag=z_log_std);
    # deterministically return the distribution parameters.
    return (z_mean, z_log_std)

if __name__ == "__main__":
    import jax
    _d = setup_inputs()
    print(jax.jit(kernel)(*tuple(_d.values())))

</pallas_src>

<mosaic_0001>
#map = affine_map<(d0, d1) -> (0, 0)>
#map1 = affine_map<(d0, d1) -> (0, 0, 0)>
module attributes {stable_mosaic.version = 14 : i64} {
  func.func @k(%arg0: i32, %arg1: i32, %arg2: memref<10000x16xf32, #tpu.memory_space<hbm>>, %arg3: memref<32x125x80xi32, #tpu.memory_space<hbm>>, %arg4: memref<32x125x80xi32, #tpu.memory_space<hbm>>, %arg5: memref<10112x16xf32, #tpu.memory_space<hbm>>, %arg6: memref<2x10112x16xf32, #tpu.memory_space<hbm>>, %arg7: memref<125x80xi32, #tpu.memory_space<vmem>>, %arg8: memref<125x80xi32, #tpu.memory_space<vmem>>, %arg9: memref<5x80x16xf32, #tpu.memory_space<vmem>>, %arg10: memref<10112x16xf32, #tpu.memory_space<vmem_shared>>, %arg11: memref<!tpu.dma_semaphore, #tpu.memory_space<semaphore_mem>>, %arg12: memref<!tpu.dma_semaphore, #tpu.memory_space<semaphore_mem>>, %arg13: memref<!tpu.dma_semaphore, #tpu.memory_space<semaphore_mem>>, %arg14: memref<!tpu.dma_semaphore, #tpu.memory_space<semaphore_mem>>, %arg15: memref<!tpu.dma_semaphore, #tpu.memory_space<semaphore_mem>>, %arg16: memref<!tpu.dma_semaphore, #tpu.memory_space<semaphore_mem>>, %arg17: memref<!tpu.dma_semaphore, #tpu.memory_space<semaphore_mem>>, %arg18: memref<!tpu.dma_semaphore, #tpu.memory_space<semaphore_mem>>, %arg19: memref<!tpu.dma_semaphore, #tpu.memory_space<semaphore_mem>>, %arg20: memref<!tpu.dma_semaphore, #tpu.memory_space<semaphore_mem>>, %arg21: memref<!tpu.dma_semaphore, #tpu.memory_space<semaphore_mem>>, %arg22: memref<!tpu.dma_semaphore, #tpu.memory_space<semaphore_mem>>, %arg23: memref<!tpu.dma_semaphore, #tpu.memory_space<semaphore_mem>>) attributes {dimension_semantics = [#tpu.dimension_semantics<core_parallel>, #tpu.dimension_semantics<subcore_parallel>], iteration_bounds = array<i64: 2, 16>, scalar_prefetch = 0 : i64, scratch_operands = 17 : i64, tpu.core_type = #tpu.core_type<sc_vector_subcore>, window_params = [{transform_indices = #map}, {transform_indices = #map1}, {transform_indices = #map1}, {transform_indices = #map}, {transform_indices = #map1}]} {
    %mul3A = arith.constant 2 : i32
    %mul3A_0 = arith.muli %arg1, %mul3A : i32
    %add3A = arith.addi %mul3A_0, %arg0 : i32
    %mul3A_1 = arith.constant 632 : i32
    %mul3A_2 = arith.muli %arg1, %mul3A_1 : i32
    %mul3A_3 = arith.constant 632 : i32
    %mul3A_4 = arith.muli %arg1, %mul3A_3 : i32
    %dma_start3A = arith.constant 0 : i32
    %dma_start3A_5 = tpu.memref_slice %arg10[%mul3A_4, %dma_start3A] : memref<10112x16xf32, #tpu.memory_space<vmem_shared>> -> memref<632x16xf32, #tpu.memory_space<vmem_shared>>
    %dma_start3A_6 = arith.constant 0 : i32
    %dma_start3A_7 = tpu.memref_slice %arg5[%mul3A_2, %dma_start3A_6] : memref<10112x16xf32, #tpu.memory_space<hbm>> -> memref<632x16xf32, #tpu.memory_space<hbm>>
    tpu.enqueue_dma source(%dma_start3A_7 : memref<632x16xf32, #tpu.memory_space<hbm>>) target(%dma_start3A_5 : memref<632x16xf32, #tpu.memory_space<vmem_shared>>) target_semaphore(%arg21 : memref<!tpu.dma_semaphore, #tpu.memory_space<semaphore_mem>>)
    %dma_start3A_8 = arith.constant 0 : i32
    %dma_start3A_9 = arith.constant 0 : i32
    %dma_start3A_10 = tpu.memref_slice %arg3[%add3A, %dma_start3A_8, %dma_start3A_9] : memref<32x125x80xi32, #tpu.memory_space<hbm>> -> memref<1x125x80xi32, #tpu.memory_space<hbm>>
    %dma_start3A_11 = tpu.memref_squeeze %dma_start3A_10 : memref<1x125x80xi32, #tpu.memory_space<hbm>> -> memref<125x80xi32, #tpu.memory_space<hbm>>
    %dma_start3A_12 = arith.constant 0 : i32
    %dma_start3A_13 = arith.constant 0 : i32
    %dma_start3A_14 = tpu.memref_slice %arg3[%add3A, %dma_start3A_12, %dma_start3A_13] : memref<32x125x80xi32, #tpu.memory_space<hbm>> -> memref<1x125x80xi32, #tpu.memory_space<hbm>>
    %dma_start3A_15 = tpu.memref_squeeze %dma_start3A_14 : memref<1x125x80xi32, #tpu.memory_space<hbm>> -> memref<125x80xi32, #tpu.memory_space<hbm>>
    tpu.enqueue_dma source(%dma_start3A_15 : memref<125x80xi32, #tpu.memory_space<hbm>>) target(%arg7 : memref<125x80xi32, #tpu.memory_space<vmem>>) target_semaphore(%arg22 : memref<!tpu.dma_semaphore, #tpu.memory_space<semaphore_mem>>)
    %dma_start3A_16 = arith.constant 0 : i32
    %dma_start3A_17 = arith.constant 0 : i32
    %dma_start3A_18 = tpu.memref_slice %arg4[%add3A, %dma_start3A_16, %dma_start3A_17] : memref<32x125x80xi32, #tpu.memory_space<hbm>> -> memref<1x125x80xi32, #tpu.memory_space<hbm>>
    %dma_start3A_19 = tpu.memref_squeeze %dma_start3A_18 : memref<1x125x80xi32, #tpu.memory_space<hbm>> -> memref<125x80xi32, #tpu.memory_space<hbm>>
    %dma_start3A_20 = arith.constant 0 : i32
    %dma_start3A_21 = arith.constant 0 : i32
    %dma_start3A_22 = tpu.memref_slice %arg4[%add3A, %dma_start3A_20, %dma_start3A_21] : memref<32x125x80xi32, #tpu.memory_space<hbm>> -> memref<1x125x80xi32, #tpu.memory_space<hbm>>
    %dma_start3A_23 = tpu.memref_squeeze %dma_start3A_22 : memref<1x125x80xi32, #tpu.memory_space<hbm>> -> memref<125x80xi32, #tpu.memory_space<hbm>>
    tpu.enqueue_dma source(%dma_start3A_23 : memref<125x80xi32, #tpu.memory_space<hbm>>) target(%arg8 : memref<125x80xi32, #tpu.memory_space<vmem>>) target_semaphore(%arg23 : memref<!tpu.dma_semaphore, #tpu.memory_space<semaphore_mem>>)
    %dma_wait3A = arith.constant 0 : i32
    %dma_wait3A_24 = arith.constant 0 : i32
    %dma_wait3A_25 = tpu.memref_slice %arg3[%add3A, %dma_wait3A, %dma_wait3A_24] : memref<32x125x80xi32, #tpu.memory_space<hbm>> -> memref<1x125x80xi32, #tpu.memory_space<hbm>>
    %dma_wait3A_26 = tpu.memref_squeeze %dma_wait3A_25 : memref<1x125x80xi32, #tpu.memory_space<hbm>> -> memref<125x80xi32, #tpu.memory_space<hbm>>
    %dma_wait3A_27 = arith.constant 0 : i32
    %dma_wait3A_28 = arith.constant 0 : i32
    %dma_wait3A_29 = tpu.memref_slice %arg3[%add3A, %dma_wait3A_27, %dma_wait3A_28] : memref<32x125x80xi32, #tpu.memory_space<hbm>> -> memref<1x125x80xi32, #tpu.memory_space<hbm>>
    %dma_wait3A_30 = tpu.memref_squeeze %dma_wait3A_29 : memref<1x125x80xi32, #tpu.memory_space<hbm>> -> memref<125x80xi32, #tpu.memory_space<hbm>>
    tpu.wait_dma2 semaphore(%arg22 : memref<!tpu.dma_semaphore, #tpu.memory_space<semaphore_mem>>) src(%dma_wait3A_30 : memref<125x80xi32, #tpu.memory_space<hbm>>) dst(%arg7 : memref<125x80xi32, #tpu.memory_space<vmem>>)
    %dma_wait3A_31 = arith.constant 0 : i32
    %dma_wait3A_32 = arith.constant 0 : i32
    %dma_wait3A_33 = tpu.memref_slice %arg4[%add3A, %dma_wait3A_31, %dma_wait3A_32] : memref<32x125x80xi32, #tpu.memory_space<hbm>> -> memref<1x125x80xi32, #tpu.memory_space<hbm>>
    %dma_wait3A_34 = tpu.memref_squeeze %dma_wait3A_33 : memref<1x125x80xi32, #tpu.memory_space<hbm>> -> memref<125x80xi32, #tpu.memory_space<hbm>>
    %dma_wait3A_35 = arith.constant 0 : i32
    %dma_wait3A_36 = arith.constant 0 : i32
    %dma_wait3A_37 = tpu.memref_slice %arg4[%add3A, %dma_wait3A_35, %dma_wait3A_36] : memref<32x125x80xi32, #tpu.memory_space<hbm>> -> memref<1x125x80xi32, #tpu.memory_space<hbm>>
    %dma_wait3A_38 = tpu.memref_squeeze %dma_wait3A_37 : memref<1x125x80xi32, #tpu.memory_space<hbm>> -> memref<125x80xi32, #tpu.memory_space<hbm>>
    tpu.wait_dma2 semaphore(%arg23 : memref<!tpu.dma_semaphore, #tpu.memory_space<semaphore_mem>>) src(%dma_wait3A_38 : memref<125x80xi32, #tpu.memory_space<hbm>>) dst(%arg8 : memref<125x80xi32, #tpu.memory_space<vmem>>)
    %dma_start3A_39 = arith.constant 0 : i32
    %dma_start3A_40 = arith.constant 0 : i32
    %dma_start3A_41 = arith.constant 0 : i32
    %dma_start3A_42 = arith.constant 0 : i32
    %dma_start3A_43 = tpu.memref_slice %arg9[%dma_start3A_40, %dma_start3A_41, %dma_start3A_42] : memref<5x80x16xf32, #tpu.memory_space<vmem>> -> memref<1x80x16xf32, #tpu.memory_space<vmem>>
    %dma_start3A_44 = tpu.memref_squeeze %dma_start3A_43 : memref<1x80x16xf32, #tpu.memory_space<vmem>> -> memref<80x16xf32, #tpu.memory_space<vmem>>
    %dma_start3A_45 = arith.constant 0 : i32
    %dma_start3A_46 = tpu.memref_slice %arg7[%dma_start3A_39, %dma_start3A_45] : memref<125x80xi32, #tpu.memory_space<vmem>> -> memref<1x80xi32, #tpu.memory_space<vmem>>
    %dma_start3A_47 = tpu.memref_squeeze %dma_start3A_46 : memref<1x80xi32, #tpu.memory_space<vmem>> -> memref<80xi32, #tpu.memory_space<vmem>>
    %dma_start3A_48 = arith.constant 0 : i32
    %dma_start3A_49 = arith.constant 0 : i32
    %dma_start3A_50 = tpu.memref_slice %arg2[%dma_start3A_48, %dma_start3A_49] : memref<10000x16xf32, #tpu.memory_space<hbm>> -> memref<10000x16xf32, #tpu.memory_space<hbm>>
    tpu.enqueue_indirect_dma source(%dma_start3A_50 : memref<10000x16xf32, #tpu.memory_space<hbm>>) target(%dma_start3A_44 : memref<80x16xf32, #tpu.memory_space<vmem>>) offsets(%dma_start3A_47 : memref<80xi32, #tpu.memory_space<vmem>>) semaphore(%arg11 : memref<!tpu.dma_semaphore, #tpu.memory_space<semaphore_mem>>)
    %dma_start3A_51 = arith.constant 1 : i32
    %dma_start3A_52 = arith.constant 1 : i32
    %dma_start3A_53 = arith.constant 0 : i32
    %dma_start3A_54 = arith.constant 0 : i32
    %dma_start3A_55 = tpu.memref_slice %arg9[%dma_start3A_52, %dma_start3A_53, %dma_start3A_54] : memref<5x80x16xf32, #tpu.memory_space<vmem>> -> memref<1x80x16xf32, #tpu.memory_space<vmem>>
    %dma_start3A_56 = tpu.memref_squeeze %dma_start3A_55 : memref<1x80x16xf32, #tpu.memory_space<vmem>> -> memref<80x16xf32, #tpu.memory_space<vmem>>
    %dma_start3A_57 = arith.constant 0 : i32
    %dma_start3A_58 = tpu.memref_slice %arg7[%dma_start3A_51, %dma_start3A_57] : memref<125x80xi32, #tpu.memory_space<vmem>> -> memref<1x80xi32, #tpu.memory_space<vmem>>
    %dma_start3A_59 = tpu.memref_squeeze %dma_start3A_58 : memref<1x80xi32, #tpu.memory_space<vmem>> -> memref<80xi32, #tpu.memory_space<vmem>>
    %dma_start3A_60 = arith.constant 0 : i32
    %dma_start3A_61 = arith.constant 0 : i32
    %dma_start3A_62 = tpu.memref_slice %arg2[%dma_start3A_60, %dma_start3A_61] : memref<10000x16xf32, #tpu.memory_space<hbm>> -> memref<10000x16xf32, #tpu.memory_space<hbm>>
    tpu.enqueue_indirect_dma source(%dma_start3A_62 : memref<10000x16xf32, #tpu.memory_space<hbm>>) target(%dma_start3A_56 : memref<80x16xf32, #tpu.memory_space<vmem>>) offsets(%dma_start3A_59 : memref<80xi32, #tpu.memory_space<vmem>>) semaphore(%arg12 : memref<!tpu.dma_semaphore, #tpu.memory_space<semaphore_mem>>)
    %dma_start3A_63 = arith.constant 2 : i32
    %dma_start3A_64 = arith.constant 2 : i32
    %dma_start3A_65 = arith.constant 0 : i32
    %dma_start3A_66 = arith.constant 0 : i32
    %dma_start3A_67 = tpu.memref_slice %arg9[%dma_start3A_64, %dma_start3A_65, %dma_start3A_66] : memref<5x80x16xf32, #tpu.memory_space<vmem>> -> memref<1x80x16xf32, #tpu.memory_space<vmem>>
    %dma_start3A_68 = tpu.memref_squeeze %dma_start3A_67 : memref<1x80x16xf32, #tpu.memory_space<vmem>> -> memref<80x16xf32, #tpu.memory_space<vmem>>
    %dma_start3A_69 = arith.constant 0 : i32
    %dma_start3A_70 = tpu.memref_slice %arg7[%dma_start3A_63, %dma_start3A_69] : memref<125x80xi32, #tpu.memory_space<vmem>> -> memref<1x80xi32, #tpu.memory_space<vmem>>
    %dma_start3A_71 = tpu.memref_squeeze %dma_start3A_70 : memref<1x80xi32, #tpu.memory_space<vmem>> -> memref<80xi32, #tpu.memory_space<vmem>>
    %dma_start3A_72 = arith.constant 0 : i32
    %dma_start3A_73 = arith.constant 0 : i32
    %dma_start3A_74 = tpu.memref_slice %arg2[%dma_start3A_72, %dma_start3A_73] : memref<10000x16xf32, #tpu.memory_space<hbm>> -> memref<10000x16xf32, #tpu.memory_space<hbm>>
    tpu.enqueue_indirect_dma source(%dma_start3A_74 : memref<10000x16xf32, #tpu.memory_space<hbm>>) target(%dma_start3A_68 : memref<80x16xf32, #tpu.memory_space<vmem>>) offsets(%dma_start3A_71 : memref<80xi32, #tpu.memory_space<vmem>>) semaphore(%arg13 : memref<!tpu.dma_semaphore, #tpu.memory_space<semaphore_mem>>)
    %dma_start3A_75 = arith.constant 3 : i32
    %dma_start3A_76 = arith.constant 3 : i32
    %dma_start3A_77 = arith.constant 0 : i32
    %dma_start3A_78 = arith.constant 0 : i32
    %dma_start3A_79 = tpu.memref_slice %arg9[%dma_start3A_76, %dma_start3A_77, %dma_start3A_78] : memref<5x80x16xf32, #tpu.memory_space<vmem>> -> memref<1x80x16xf32, #tpu.memory_space<vmem>>
    %dma_start3A_80 = tpu.memref_squeeze %dma_start3A_79 : memref<1x80x16xf32, #tpu.memory_space<vmem>> -> memref<80x16xf32, #tpu.memory_space<vmem>>
    %dma_start3A_81 = arith.constant 0 : i32
    %dma_start3A_82 = tpu.memref_slice %arg7[%dma_start3A_75, %dma_start3A_81] : memref<125x80xi32, #tpu.memory_space<vmem>> -> memref<1x80xi32, #tpu.memory_space<vmem>>
    %dma_start3A_83 = tpu.memref_squeeze %dma_start3A_82 : memref<1x80xi32, #tpu.memory_space<vmem>> -> memref<80xi32, #tpu.memory_space<vmem>>
    %dma_start3A_84 = arith.constant 0 : i32
    %dma_start3A_85 = arith.constant 0 : i32
    %dma_start3A_86 = tpu.memref_slice %arg2[%dma_start3A_84, %dma_start3A_85] : memref<10000x16xf32, #tpu.memory_space<hbm>> -> memref<10000x16xf32, #tpu.memory_space<hbm>>
    tpu.enqueue_indirect_dma source(%dma_start3A_86 : memref<10000x16xf32, #tpu.memory_space<hbm>>) target(%dma_start3A_80 : memref<80x16xf32, #tpu.memory_space<vmem>>) offsets(%dma_start3A_83 : memref<80xi32, #tpu.memory_space<vmem>>) semaphore(%arg14 : memref<!tpu.dma_semaphore, #tpu.memory_space<semaphore_mem>>)
    %mul3A_87 = arith.constant 632 : i32
    %mul3A_88 = arith.muli %arg1, %mul3A_87 : i32
    %mul3A_89 = arith.constant 632 : i32
    %mul3A_90 = arith.muli %arg1, %mul3A_89 : i32
    %dma_wait3A_91 = arith.constant 0 : i32
    %dma_wait3A_92 = tpu.memref_slice %arg10[%mul3A_90, %dma_wait3A_91] : memref<10112x16xf32, #tpu.memory_space<vmem_shared>> -> memref<632x16xf32, #tpu.memory_space<vmem_shared>>
    %dma_wait3A_93 = arith.constant 0 : i32
    %dma_wait3A_94 = tpu.memref_slice %arg5[%mul3A_88, %dma_wait3A_93] : memref<10112x16xf32, #tpu.memory_space<hbm>> -> memref<632x16xf32, #tpu.memory_space<hbm>>
    tpu.wait_dma2 semaphore(%arg21 : memref<!tpu.dma_semaphore, #tpu.memory_space<semaphore_mem>>) src(%dma_wait3A_94 : memref<632x16xf32, #tpu.memory_space<hbm>>) dst(%dma_wait3A_92 : memref<632x16xf32, #tpu.memory_space<vmem_shared>>)
    %barrier3A = arith.constant 0 : index
    tpu.barrier barrier_id(%barrier3A)
    %scan3A = arith.constant 0 : i32
    %scan3A_95 = arith.constant 0 : i32
    %scan3A_96 = arith.constant 25 : i32
    %scan3A_97 = arith.addi %scan3A_95, %scan3A_96 : i32
    %scan3A_98 = arith.constant 1 : i32
    scf.for %scan3A_165 = %scan3A_95 to %scan3A_97 step %scan3A_98  : i32 {
      %mul3A_166 = arith.constant 5 : i32
      %mul3A_167 = arith.muli %scan3A_165, %mul3A_166 : i32
      %add3A_168 = arith.constant 0 : i32
      %add3A_169 = arith.addi %mul3A_167, %add3A_168 : i32
      %add3A_170 = arith.constant 4 : i32
      %add3A_171 = arith.addi %add3A_169, %add3A_170 : i32
      %mul3A_172 = arith.constant 5 : i32
      %mul3A_173 = arith.muli %scan3A_165, %mul3A_172 : i32
      %add3A_174 = arith.constant 0 : i32
      %add3A_175 = arith.addi %mul3A_173, %add3A_174 : i32
      %lt3A = arith.constant 125 : i32
      %lt3A_176 = arith.cmpi slt, %add3A_171, %lt3A : i32
      %convert_element_type3A = arith.extui %lt3A_176 : i1 to i32
      %cond3A = arith.constant 0 : i32
      %cond3A_177 = arith.cmpi ne, %convert_element_type3A, %cond3A : i32
      scf.if %cond3A_177 {
        %ge3A = arith.constant 5 : i32
        %ge3A_348 = arith.cmpi sge, %add3A_171, %ge3A : i32
        %convert_element_type3A_349 = arith.extui %ge3A_348 : i1 to i32
        %cond3A_350 = arith.constant 0 : i32
        %cond3A_351 = arith.cmpi ne, %convert_element_type3A_349, %cond3A_350 : i32
        scf.if %cond3A_351 {
          %sub3A = arith.constant 5 : i32
          %sub3A_363 = arith.subi %add3A_171, %sub3A : i32
          %dma_wait3A_364 = arith.constant 4 : i32
          %dma_wait3A_365 = arith.constant 0 : i32
          %dma_wait3A_366 = arith.constant 0 : i32
          %dma_wait3A_367 = tpu.memref_slice %arg9[%dma_wait3A_364, %dma_wait3A_365, %dma_wait3A_366] : memref<5x80x16xf32, #tpu.memory_space<vmem>> -> memref<1x80x16xf32, #tpu.memory_space<vmem>>
          %dma_wait3A_368 = tpu.memref_squeeze %dma_wait3A_367 : memref<1x80x16xf32, #tpu.memory_space<vmem>> -> memref<80x16xf32, #tpu.memory_space<vmem>>
          %dma_wait3A_369 = arith.constant 0 : i32
          %dma_wait3A_370 = tpu.memref_slice %arg8[%sub3A_363, %dma_wait3A_369] : memref<125x80xi32, #tpu.memory_space<vmem>> -> memref<1x80xi32, #tpu.memory_space<vmem>>
          %dma_wait3A_371 = tpu.memref_squeeze %dma_wait3A_370 : memref<1x80xi32, #tpu.memory_space<vmem>> -> memref<80xi32, #tpu.memory_space<vmem>>
          %dma_wait3A_372 = arith.constant 0 : i32
          %dma_wait3A_373 = arith.constant 0 : i32
          %dma_wait3A_374 = tpu.memref_slice %arg10[%dma_wait3A_372, %dma_wait3A_373] : memref<10112x16xf32, #tpu.memory_space<vmem_shared>> -> memref<10112x16xf32, #tpu.memory_space<vmem_shared>>
          tpu.wait_indirect_dma semaphore(%arg20 : memref<!tpu.dma_semaphore, #tpu.memory_space<semaphore_mem>>) src(%dma_wait3A_368 : memref<80x16xf32, #tpu.memory_space<vmem>>) dst(%dma_wait3A_374 : memref<10112x16xf32, #tpu.memory_space<vmem_shared>>)
        } else {
        }
        %dma_start3A_352 = arith.constant 4 : i32
        %dma_start3A_353 = arith.constant 0 : i32
        %dma_start3A_354 = arith.constant 0 : i32
        %dma_start3A_355 = tpu.memref_slice %arg9[%dma_start3A_352, %dma_start3A_353, %dma_start3A_354] : memref<5x80x16xf32, #tpu.memory_space<vmem>> -> memref<1x80x16xf32, #tpu.memory_space<vmem>>
        %dma_start3A_356 = tpu.memref_squeeze %dma_start3A_355 : memref<1x80x16xf32, #tpu.memory_space<vmem>> -> memref<80x16xf32, #tpu.memory_space<vmem>>
        %dma_start3A_357 = arith.constant 0 : i32
        %dma_start3A_358 = tpu.memref_slice %arg7[%add3A_171, %dma_start3A_357] : memref<125x80xi32, #tpu.memory_space<vmem>> -> memref<1x80xi32, #tpu.memory_space<vmem>>
        %dma_start3A_359 = tpu.memref_squeeze %dma_start3A_358 : memref<1x80xi32, #tpu.memory_space<vmem>> -> memref<80xi32, #tpu.memory_space<vmem>>
        %dma_start3A_360 = arith.constant 0 : i32
        %dma_start3A_361 = arith.constant 0 : i32
        %dma_start3A_362 = tpu.memref_slice %arg2[%dma_start3A_360, %dma_start3A_361] : memref<10000x16xf32, #tpu.memory_space<hbm>> -> memref<10000x16xf32, #tpu.memory_space<hbm>>
        tpu.enqueue_indirect_dma source(%dma_start3A_362 : memref<10000x16xf32, #tpu.memory_space<hbm>>) target(%dma_start3A_356 : memref<80x16xf32, #tpu.memory_space<vmem>>) offsets(%dma_start3A_359 : memref<80xi32, #tpu.memory_space<vmem>>) semaphore(%arg15 : memref<!tpu.dma_semaphore, #tpu.memory_space<semaphore_mem>>)
      } else {
      }
      %dma_wait3A_178 = arith.constant 0 : i32
      %dma_wait3A_179 = arith.constant 0 : i32
      %dma_wait3A_180 = arith.constant 0 : i32
      %dma_wait3A_181 = tpu.memref_slice %arg9[%dma_wait3A_178, %dma_wait3A_179, %dma_wait3A_180] : memref<5x80x16xf32, #tpu.memory_space<vmem>> -> memref<1x80x16xf32, #tpu.memory_space<vmem>>
      %dma_wait3A_182 = tpu.memref_squeeze %dma_wait3A_181 : memref<1x80x16xf32, #tpu.memory_space<vmem>> -> memref<80x16xf32, #tpu.memory_space<vmem>>
      %dma_wait3A_183 = arith.constant 0 : i32
      %dma_wait3A_184 = tpu.memref_slice %arg7[%add3A_175, %dma_wait3A_183] : memref<125x80xi32, #tpu.memory_space<vmem>> -> memref<1x80xi32, #tpu.memory_space<vmem>>
      %dma_wait3A_185 = tpu.memref_squeeze %dma_wait3A_184 : memref<1x80xi32, #tpu.memory_space<vmem>> -> memref<80xi32, #tpu.memory_space<vmem>>
      %dma_wait3A_186 = arith.constant 0 : i32
      %dma_wait3A_187 = arith.constant 0 : i32
      %dma_wait3A_188 = tpu.memref_slice %arg2[%dma_wait3A_186, %dma_wait3A_187] : memref<10000x16xf32, #tpu.memory_space<hbm>> -> memref<10000x16xf32, #tpu.memory_space<hbm>>
      tpu.wait_indirect_dma semaphore(%arg11 : memref<!tpu.dma_semaphore, #tpu.memory_space<semaphore_mem>>) src(%dma_wait3A_188 : memref<10000x16xf32, #tpu.memory_space<hbm>>) dst(%dma_wait3A_182 : memref<80x16xf32, #tpu.memory_space<vmem>>)
      %dma_start3A_189 = arith.constant 0 : i32
      %dma_start3A_190 = arith.constant 0 : i32
      %dma_start3A_191 = arith.constant 0 : i32
      %dma_start3A_192 = tpu.memref_slice %arg9[%dma_start3A_189, %dma_start3A_190, %dma_start3A_191] : memref<5x80x16xf32, #tpu.memory_space<vmem>> -> memref<1x80x16xf32, #tpu.memory_space<vmem>>
      %dma_start3A_193 = tpu.memref_squeeze %dma_start3A_192 : memref<1x80x16xf32, #tpu.memory_space<vmem>> -> memref<80x16xf32, #tpu.memory_space<vmem>>
      %dma_start3A_194 = arith.constant 0 : i32
      %dma_start3A_195 = tpu.memref_slice %arg8[%add3A_175, %dma_start3A_194] : memref<125x80xi32, #tpu.memory_space<vmem>> -> memref<1x80xi32, #tpu.memory_space<vmem>>
      %dma_start3A_196 = tpu.memref_squeeze %dma_start3A_195 : memref<1x80xi32, #tpu.memory_space<vmem>> -> memref<80xi32, #tpu.memory_space<vmem>>
      %dma_start3A_197 = arith.constant 0 : i32
      %dma_start3A_198 = arith.constant 0 : i32
      %dma_start3A_199 = tpu.memref_slice %arg10[%dma_start3A_197, %dma_start3A_198] : memref<10112x16xf32, #tpu.memory_space<vmem_shared>> -> memref<10112x16xf32, #tpu.memory_space<vmem_shared>>
      tpu.enqueue_indirect_dma source(%dma_start3A_193 : memref<80x16xf32, #tpu.memory_space<vmem>>) target(%dma_start3A_199 : memref<10112x16xf32, #tpu.memory_space<vmem_shared>>) offsets(%dma_start3A_196 : memref<80xi32, #tpu.memory_space<vmem>>) semaphore(%arg16 : memref<!tpu.dma_semaphore, #tpu.memory_space<semaphore_mem>>) {add = true}
      %mul3A_200 = arith.constant 5 : i32
      %mul3A_201 = arith.muli %scan3A_165, %mul3A_200 : i32
      %add3A_202 = arith.constant 1 : i32
      %add3A_203 = arith.addi %mul3A_201, %add3A_202 : i32
      %add3A_204 = arith.constant 4 : i32
      %add3A_205 = arith.addi %add3A_203, %add3A_204 : i32
      %mul3A_206 = arith.constant 5 : i32
      %mul3A_207 = arith.muli %scan3A_165, %mul3A_206 : i32
      %add3A_208 = arith.constant 1 : i32
      %add3A_209 = arith.addi %mul3A_207, %add3A_208 : i32
      %lt3A_210 = arith.constant 125 : i32
      %lt3A_211 = arith.cmpi slt, %add3A_205, %lt3A_210 : i32
      %convert_element_type3A_212 = arith.extui %lt3A_211 : i1 to i32
      %cond3A_213 = arith.constant 0 : i32
      %cond3A_214 = arith.cmpi ne, %convert_element_type3A_212, %cond3A_213 : i32
      scf.if %cond3A_214 {
        %ge3A = arith.constant 5 : i32
        %ge3A_348 = arith.cmpi sge, %add3A_205, %ge3A : i32
        %convert_element_type3A_349 = arith.extui %ge3A_348 : i1 to i32
        %cond3A_350 = arith.constant 0 : i32
        %cond3A_351 = arith.cmpi ne, %convert_element_type3A_349, %cond3A_350 : i32
        scf.if %cond3A_351 {
          %sub3A = arith.constant 5 : i32
          %sub3A_363 = arith.subi %add3A_205, %sub3A : i32
          %dma_wait3A_364 = arith.constant 0 : i32
          %dma_wait3A_365 = arith.constant 0 : i32
          %dma_wait3A_366 = arith.constant 0 : i32
          %dma_wait3A_367 = tpu.memref_slice %arg9[%dma_wait3A_364, %dma_wait3A_365, %dma_wait3A_366] : memref<5x80x16xf32, #tpu.memory_space<vmem>> -> memref<1x80x16xf32, #tpu.memory_space<vmem>>
          %dma_wait3A_368 = tpu.memref_squeeze %dma_wait3A_367 : memref<1x80x16xf32, #tpu.memory_space<vmem>> -> memref<80x16xf32, #tpu.memory_space<vmem>>
          %dma_wait3A_369 = arith.constant 0 : i32
          %dma_wait3A_370 = tpu.memref_slice %arg8[%sub3A_363, %dma_wait3A_369] : memref<125x80xi32, #tpu.memory_space<vmem>> -> memref<1x80xi32, #tpu.memory_space<vmem>>
          %dma_wait3A_371 = tpu.memref_squeeze %dma_wait3A_370 : memref<1x80xi32, #tpu.memory_space<vmem>> -> memref<80xi32, #tpu.memory_space<vmem>>
          %dma_wait3A_372 = arith.constant 0 : i32
          %dma_wait3A_373 = arith.constant 0 : i32
          %dma_wait3A_374 = tpu.memref_slice %arg10[%dma_wait3A_372, %dma_wait3A_373] : memref<10112x16xf32, #tpu.memory_space<vmem_shared>> -> memref<10112x16xf32, #tpu.memory_space<vmem_shared>>
          tpu.wait_indirect_dma semaphore(%arg16 : memref<!tpu.dma_semaphore, #tpu.memory_space<semaphore_mem>>) src(%dma_wait3A_368 : memref<80x16xf32, #tpu.memory_space<vmem>>) dst(%dma_wait3A_374 : memref<10112x16xf32, #tpu.memory_space<vmem_shared>>)
        } else {
        }
        %dma_start3A_352 = arith.constant 0 : i32
        %dma_start3A_353 = arith.constant 0 : i32
        %dma_start3A_354 = arith.constant 0 : i32
        %dma_start3A_355 = tpu.memref_slice %arg9[%dma_start3A_352, %dma_start3A_353, %dma_start3A_354] : memref<5x80x16xf32, #tpu.memory_space<vmem>> -> memref<1x80x16xf32, #tpu.memory_space<vmem>>
        %dma_start3A_356 = tpu.memref_squeeze %dma_start3A_355 : memref<1x80x16xf32, #tpu.memory_space<vmem>> -> memref<80x16xf32, #tpu.memory_space<vmem>>
        %dma_start3A_357 = arith.constant 0 : i32
        %dma_start3A_358 = tpu.memref_slice %arg7[%add3A_205, %dma_start3A_357] : memref<125x80xi32, #tpu.memory_space<vmem>> -> memref<1x80xi32, #tpu.memory_space<vmem>>
        %dma_start3A_359 = tpu.memref_squeeze %dma_start3A_358 : memref<1x80xi32, #tpu.memory_space<vmem>> -> memref<80xi32, #tpu.memory_space<vmem>>
        %dma_start3A_360 = arith.constant 0 : i32
        %dma_start3A_361 = arith.constant 0 : i32
        %dma_start3A_362 = tpu.memref_slice %arg2[%dma_start3A_360, %dma_start3A_361] : memref<10000x16xf32, #tpu.memory_space<hbm>> -> memref<10000x16xf32, #tpu.memory_space<hbm>>
        tpu.enqueue_indirect_dma source(%dma_start3A_362 : memref<10000x16xf32, #tpu.memory_space<hbm>>) target(%dma_start3A_356 : memref<80x16xf32, #tpu.memory_space<vmem>>) offsets(%dma_start3A_359 : memref<80xi32, #tpu.memory_space<vmem>>) semaphore(%arg11 : memref<!tpu.dma_semaphore, #tpu.memory_space<semaphore_mem>>)
      } else {
      }
      %dma_wait3A_215 = arith.constant 1 : i32
      %dma_wait3A_216 = arith.constant 0 : i32
      %dma_wait3A_217 = arith.constant 0 : i32
      %dma_wait3A_218 = tpu.memref_slice %arg9[%dma_wait3A_215, %dma_wait3A_216, %dma_wait3A_217] : memref<5x80x16xf32, #tpu.memory_space<vmem>> -> memref<1x80x16xf32, #tpu.memory_space<vmem>>
      %dma_wait3A_219 = tpu.memref_squeeze %dma_wait3A_218 : memref<1x80x16xf32, #tpu.memory_space<vmem>> -> memref<80x16xf32, #tpu.memory_space<vmem>>
      %dma_wait3A_220 = arith.constant 0 : i32
      %dma_wait3A_221 = tpu.memref_slice %arg7[%add3A_209, %dma_wait3A_220] : memref<125x80xi32, #tpu.memory_space<vmem>> -> memref<1x80xi32, #tpu.memory_space<vmem>>
      %dma_wait3A_222 = tpu.memref_squeeze %dma_wait3A_221 : memref<1x80xi32, #tpu.memory_space<vmem>> -> memref<80xi32, #tpu.memory_space<vmem>>
      %dma_wait3A_223 = arith.constant 0 : i32
      %dma_wait3A_224 = arith.constant 0 : i32
      %dma_wait3A_225 = tpu.memref_slice %arg2[%dma_wait3A_223, %dma_wait3A_224] : memref<10000x16xf32, #tpu.memory_space<hbm>> -> memref<10000x16xf32, #tpu.memory_space<hbm>>
      tpu.wait_indirect_dma semaphore(%arg12 : memref<!tpu.dma_semaphore, #tpu.memory_space<semaphore_mem>>) src(%dma_wait3A_225 : memref<10000x16xf32, #tpu.memory_space<hbm>>) dst(%dma_wait3A_219 : memref<80x16xf32, #tpu.memory_space<vmem>>)
      %dma_start3A_226 = arith.constant 1 : i32
      %dma_start3A_227 = arith.constant 0 : i32
      %dma_start3A_228 = arith.constant 0 : i32
      %dma_start3A_229 = tpu.memref_slice %arg9[%dma_start3A_226, %dma_start3A_227, %dma_start3A_228] : memref<5x80x16xf32, #tpu.memory_space<vmem>> -> memref<1x80x16xf32, #tpu.memory_space<vmem>>
      %dma_start3A_230 = tpu.memref_squeeze %dma_start3A_229 : memref<1x80x16xf32, #tpu.memory_space<vmem>> -> memref<80x16xf32, #tpu.memory_space<vmem>>
      %dma_start3A_231 = arith.constant 0 : i32
      %dma_start3A_232 = tpu.memref_slice %arg8[%add3A_209, %dma_start3A_231] : memref<125x80xi32, #tpu.memory_space<vmem>> -> memref<1x80xi32, #tpu.memory_space<vmem>>
      %dma_start3A_233 = tpu.memref_squeeze %dma_start3A_232 : memref<1x80xi32, #tpu.memory_space<vmem>> -> memref<80xi32, #tpu.memory_space<vmem>>
      %dma_start3A_234 = arith.constant 0 : i32
      %dma_start3A_235 = arith.constant 0 : i32
      %dma_start3A_236 = tpu.memref_slice %arg10[%dma_start3A_234, %dma_start3A_235] : memref<10112x16xf32, #tpu.memory_space<vmem_shared>> -> memref<10112x16xf32, #tpu.memory_space<vmem_shared>>
      tpu.enqueue_indirect_dma source(%dma_start3A_230 : memref<80x16xf32, #tpu.memory_space<vmem>>) target(%dma_start3A_236 : memref<10112x16xf32, #tpu.memory_space<vmem_shared>>) offsets(%dma_start3A_233 : memref<80xi32, #tpu.memory_space<vmem>>) semaphore(%arg17 : memref<!tpu.dma_semaphore, #tpu.memory_space<semaphore_mem>>) {add = true}
      %mul3A_237 = arith.constant 5 : i32
      %mul3A_238 = arith.muli %scan3A_165, %mul3A_237 : i32
      %add3A_239 = arith.constant 2 : i32
      %add3A_240 = arith.addi %mul3A_238, %add3A_239 : i32
      %add3A_241 = arith.constant 4 : i32
      %add3A_242 = arith.addi %add3A_240, %add3A_241 : i32
      %mul3A_243 = arith.constant 5 : i32
      %mul3A_244 = arith.muli %scan3A_165, %mul3A_243 : i32
      %add3A_245 = arith.constant 2 : i32
      %add3A_246 = arith.addi %mul3A_244, %add3A_245 : i32
      %lt3A_247 = arith.constant 125 : i32
      %lt3A_248 = arith.cmpi slt, %add3A_242, %lt3A_247 : i32
      %convert_element_type3A_249 = arith.extui %lt3A_248 : i1 to i32
      %cond3A_250 = arith.constant 0 : i32
      %cond3A_251 = arith.cmpi ne, %convert_element_type3A_249, %cond3A_250 : i32
      scf.if %cond3A_251 {
        %ge3A = arith.constant 5 : i32
        %ge3A_348 = arith.cmpi sge, %add3A_242, %ge3A : i32
        %convert_element_type3A_349 = arith.extui %ge3A_348 : i1 to i32
        %cond3A_350 = arith.constant 0 : i32
        %cond3A_351 = arith.cmpi ne, %convert_element_type3A_349, %cond3A_350 : i32
        scf.if %cond3A_351 {
          %sub3A = arith.constant 5 : i32
          %sub3A_363 = arith.subi %add3A_242, %sub3A : i32
          %dma_wait3A_364 = arith.constant 1 : i32
          %dma_wait3A_365 = arith.constant 0 : i32
          %dma_wait3A_366 = arith.constant 0 : i32
          %dma_wait3A_367 = tpu.memref_slice %arg9[%dma_wait3A_364, %dma_wait3A_365, %dma_wait3A_366] : memref<5x80x16xf32, #tpu.memory_space<vmem>> -> memref<1x80x16xf32, #tpu.memory_space<vmem>>
          %dma_wait3A_368 = tpu.memref_squeeze %dma_wait3A_367 : memref<1x80x16xf32, #tpu.memory_space<vmem>> -> memref<80x16xf32, #tpu.memory_space<vmem>>
          %dma_wait3A_369 = arith.constant 0 : i32
          %dma_wait3A_370 = tpu.memref_slice %arg8[%sub3A_363, %dma_wait3A_369] : memref<125x80xi32, #tpu.memory_space<vmem>> -> memref<1x80xi32, #tpu.memory_space<vmem>>
          %dma_wait3A_371 = tpu.memref_squeeze %dma_wait3A_370 : memref<1x80xi32, #tpu.memory_space<vmem>> -> memref<80xi32, #tpu.memory_space<vmem>>
          %dma_wait3A_372 = arith.constant 0 : i32
          %dma_wait3A_373 = arith.constant 0 : i32
          %dma_wait3A_374 = tpu.memref_slice %arg10[%dma_wait3A_372, %dma_wait3A_373] : memref<10112x16xf32, #tpu.memory_space<vmem_shared>> -> memref<10112x16xf32, #tpu.memory_space<vmem_shared>>
          tpu.wait_indirect_dma semaphore(%arg17 : memref<!tpu.dma_semaphore, #tpu.memory_space<semaphore_mem>>) src(%dma_wait3A_368 : memref<80x16xf32, #tpu.memory_space<vmem>>) dst(%dma_wait3A_374 : memref<10112x16xf32, #tpu.memory_space<vmem_shared>>)
        } else {
        }
        %dma_start3A_352 = arith.constant 1 : i32
        %dma_start3A_353 = arith.constant 0 : i32
        %dma_start3A_354 = arith.constant 0 : i32
        %dma_start3A_355 = tpu.memref_slice %arg9[%dma_start3A_352, %dma_start3A_353, %dma_start3A_354] : memref<5x80x16xf32, #tpu.memory_space<vmem>> -> memref<1x80x16xf32, #tpu.memory_space<vmem>>
        %dma_start3A_356 = tpu.memref_squeeze %dma_start3A_355 : memref<1x80x16xf32, #tpu.memory_space<vmem>> -> memref<80x16xf32, #tpu.memory_space<vmem>>
        %dma_start3A_357 = arith.constant 0 : i32
        %dma_start3A_358 = tpu.memref_slice %arg7[%add3A_242, %dma_start3A_357] : memref<125x80xi32, #tpu.memory_space<vmem>> -> memref<1x80xi32, #tpu.memory_space<vmem>>
        %dma_start3A_359 = tpu.memref_squeeze %dma_start3A_358 : memref<1x80xi32, #tpu.memory_space<vmem>> -> memref<80xi32, #tpu.memory_space<vmem>>
        %dma_start3A_360 = arith.constant 0 : i32
        %dma_start3A_361 = arith.constant 0 : i32
        %dma_start3A_362 = tpu.memref_slice %arg2[%dma_start3A_360, %dma_start3A_361] : memref<10000x16xf32, #tpu.memory_space<hbm>> -> memref<10000x16xf32, #tpu.memory_space<hbm>>
        tpu.enqueue_indirect_dma source(%dma_start3A_362 : memref<10000x16xf32, #tpu.memory_space<hbm>>) target(%dma_start3A_356 : memref<80x16xf32, #tpu.memory_space<vmem>>) offsets(%dma_start3A_359 : memref<80xi32, #tpu.memory_space<vmem>>) semaphore(%arg12 : memref<!tpu.dma_semaphore, #tpu.memory_space<semaphore_mem>>)
      } else {
      }
      %dma_wait3A_252 = arith.constant 2 : i32
      %dma_wait3A_253 = arith.constant 0 : i32
      %dma_wait3A_254 = arith.constant 0 : i32
      %dma_wait3A_255 = tpu.memref_slice %arg9[%dma_wait3A_252, %dma_wait3A_253, %dma_wait3A_254] : memref<5x80x16xf32, #tpu.memory_space<vmem>> -> memref<1x80x16xf32, #tpu.memory_space<vmem>>
      %dma_wait3A_256 = tpu.memref_squeeze %dma_wait3A_255 : memref<1x80x16xf32, #tpu.memory_space<vmem>> -> memref<80x16xf32, #tpu.memory_space<vmem>>
      %dma_wait3A_257 = arith.constant 0 : i32
      %dma_wait3A_258 = tpu.memref_slice %arg7[%add3A_246, %dma_wait3A_257] : memref<125x80xi32, #tpu.memory_space<vmem>> -> memref<1x80xi32, #tpu.memory_space<vmem>>
      %dma_wait3A_259 = tpu.memref_squeeze %dma_wait3A_258 : memref<1x80xi32, #tpu.memory_space<vmem>> -> memref<80xi32, #tpu.memory_space<vmem>>
      %dma_wait3A_260 = arith.constant 0 : i32
      %dma_wait3A_261 = arith.constant 0 : i32
      %dma_wait3A_262 = tpu.memref_slice %arg2[%dma_wait3A_260, %dma_wait3A_261] : memref<10000x16xf32, #tpu.memory_space<hbm>> -> memref<10000x16xf32, #tpu.memory_space<hbm>>
      tpu.wait_indirect_dma semaphore(%arg13 : memref<!tpu.dma_semaphore, #tpu.memory_space<semaphore_mem>>) src(%dma_wait3A_262 : memref<10000x16xf32, #tpu.memory_space<hbm>>) dst(%dma_wait3A_256 : memref<80x16xf32, #tpu.memory_space<vmem>>)
      %dma_start3A_263 = arith.constant 2 : i32
      %dma_start3A_264 = arith.constant 0 : i32
      %dma_start3A_265 = arith.constant 0 : i32
      %dma_start3A_266 = tpu.memref_slice %arg9[%dma_start3A_263, %dma_start3A_264, %dma_start3A_265] : memref<5x80x16xf32, #tpu.memory_space<vmem>> -> memref<1x80x16xf32, #tpu.memory_space<vmem>>
      %dma_start3A_267 = tpu.memref_squeeze %dma_start3A_266 : memref<1x80x16xf32, #tpu.memory_space<vmem>> -> memref<80x16xf32, #tpu.memory_space<vmem>>
      %dma_start3A_268 = arith.constant 0 : i32
      %dma_start3A_269 = tpu.memref_slice %arg8[%add3A_246, %dma_start3A_268] : memref<125x80xi32, #tpu.memory_space<vmem>> -> memref<1x80xi32, #tpu.memory_space<vmem>>
      %dma_start3A_270 = tpu.memref_squeeze %dma_start3A_269 : memref<1x80xi32, #tpu.memory_space<vmem>> -> memref<80xi32, #tpu.memory_space<vmem>>
      %dma_start3A_271 = arith.constant 0 : i32
      %dma_start3A_272 = arith.constant 0 : i32
      %dma_start3A_273 = tpu.memref_slice %arg10[%dma_start3A_271, %dma_start3A_272] : memref<10112x16xf32, #tpu.memory_space<vmem_shared>> -> memref<10112x16xf32, #tpu.memory_space<vmem_shared>>
      tpu.enqueue_indirect_dma source(%dma_start3A_267 : memref<80x16xf32, #tpu.memory_space<vmem>>) target(%dma_start3A_273 : memref<10112x16xf32, #tpu.memory_space<vmem_shared>>) offsets(%dma_start3A_270 : memref<80xi32, #tpu.memory_space<vmem>>) semaphore(%arg18 : memref<!tpu.dma_semaphore, #tpu.memory_space<semaphore_mem>>) {add = true}
      %mul3A_274 = arith.constant 5 : i32
      %mul3A_275 = arith.muli %scan3A_165, %mul3A_274 : i32
      %add3A_276 = arith.constant 3 : i32
      %add3A_277 = arith.addi %mul3A_275, %add3A_276 : i32
      %add3A_278 = arith.constant 4 : i32
      %add3A_279 = arith.addi %add3A_277, %add3A_278 : i32
      %mul3A_280 = arith.constant 5 : i32
      %mul3A_281 = arith.muli %scan3A_165, %mul3A_280 : i32
      %add3A_282 = arith.constant 3 : i32
      %add3A_283 = arith.addi %mul3A_281, %add3A_282 : i32
      %lt3A_284 = arith.constant 125 : i32
      %lt3A_285 = arith.cmpi slt, %add3A_279, %lt3A_284 : i32
      %convert_element_type3A_286 = arith.extui %lt3A_285 : i1 to i32
      %cond3A_287 = arith.constant 0 : i32
      %cond3A_288 = arith.cmpi ne, %convert_element_type3A_286, %cond3A_287 : i32
      scf.if %cond3A_288 {
        %ge3A = arith.constant 5 : i32
        %ge3A_348 = arith.cmpi sge, %add3A_279, %ge3A : i32
        %convert_element_type3A_349 = arith.extui %ge3A_348 : i1 to i32
        %cond3A_350 = arith.constant 0 : i32
        %cond3A_351 = arith.cmpi ne, %convert_element_type3A_349, %cond3A_350 : i32
        scf.if %cond3A_351 {
          %sub3A = arith.constant 5 : i32
          %sub3A_363 = arith.subi %add3A_279, %sub3A : i32
          %dma_wait3A_364 = arith.constant 2 : i32
          %dma_wait3A_365 = arith.constant 0 : i32
          %dma_wait3A_366 = arith.constant 0 : i32
          %dma_wait3A_367 = tpu.memref_slice %arg9[%dma_wait3A_364, %dma_wait3A_365, %dma_wait3A_366] : memref<5x80x16xf32, #tpu.memory_space<vmem>> -> memref<1x80x16xf32, #tpu.memory_space<vmem>>
          %dma_wait3A_368 = tpu.memref_squeeze %dma_wait3A_367 : memref<1x80x16xf32, #tpu.memory_space<vmem>> -> memref<80x16xf32, #tpu.memory_space<vmem>>
          %dma_wait3A_369 = arith.constant 0 : i32
          %dma_wait3A_370 = tpu.memref_slice %arg8[%sub3A_363, %dma_wait3A_369] : memref<125x80xi32, #tpu.memory_space<vmem>> -> memref<1x80xi32, #tpu.memory_space<vmem>>
          %dma_wait3A_371 = tpu.memref_squeeze %dma_wait3A_370 : memref<1x80xi32, #tpu.memory_space<vmem>> -> memref<80xi32, #tpu.memory_space<vmem>>
          %dma_wait3A_372 = arith.constant 0 : i32
          %dma_wait3A_373 = arith.constant 0 : i32
          %dma_wait3A_374 = tpu.memref_slice %arg10[%dma_wait3A_372, %dma_wait3A_373] : memref<10112x16xf32, #tpu.memory_space<vmem_shared>> -> memref<10112x16xf32, #tpu.memory_space<vmem_shared>>
          tpu.wait_indirect_dma semaphore(%arg18 : memref<!tpu.dma_semaphore, #tpu.memory_space<semaphore_mem>>) src(%dma_wait3A_368 : memref<80x16xf32, #tpu.memory_space<vmem>>) dst(%dma_wait3A_374 : memref<10112x16xf32, #tpu.memory_space<vmem_shared>>)
        } else {
        }
        %dma_start3A_352 = arith.constant 2 : i32
        %dma_start3A_353 = arith.constant 0 : i32
        %dma_start3A_354 = arith.constant 0 : i32
        %dma_start3A_355 = tpu.memref_slice %arg9[%dma_start3A_352, %dma_start3A_353, %dma_start3A_354] : memref<5x80x16xf32, #tpu.memory_space<vmem>> -> memref<1x80x16xf32, #tpu.memory_space<vmem>>
        %dma_start3A_356 = tpu.memref_squeeze %dma_start3A_355 : memref<1x80x16xf32, #tpu.memory_space<vmem>> -> memref<80x16xf32, #tpu.memory_space<vmem>>
        %dma_start3A_357 = arith.constant 0 : i32
        %dma_start3A_358 = tpu.memref_slice %arg7[%add3A_279, %dma_start3A_357] : memref<125x80xi32, #tpu.memory_space<vmem>> -> memref<1x80xi32, #tpu.memory_space<vmem>>
        %dma_start3A_359 = tpu.memref_squeeze %dma_start3A_358 : memref<1x80xi32, #tpu.memory_space<vmem>> -> memref<80xi32, #tpu.memory_space<vmem>>
        %dma_start3A_360 = arith.constant 0 : i32
        %dma_start3A_361 = arith.constant 0 : i32
        %dma_start3A_362 = tpu.memref_slice %arg2[%dma_start3A_360, %dma_start3A_361] : memref<10000x16xf32, #tpu.memory_space<hbm>> -> memref<10000x16xf32, #tpu.memory_space<hbm>>
        tpu.enqueue_indirect_dma source(%dma_start3A_362 : memref<10000x16xf32, #tpu.memory_space<hbm>>) target(%dma_start3A_356 : memref<80x16xf32, #tpu.memory_space<vmem>>) offsets(%dma_start3A_359 : memref<80xi32, #tpu.memory_space<vmem>>) semaphore(%arg13 : memref<!tpu.dma_semaphore, #tpu.memory_space<semaphore_mem>>)
      } else {
      }
      %dma_wait3A_289 = arith.constant 3 : i32
      %dma_wait3A_290 = arith.constant 0 : i32
      %dma_wait3A_291 = arith.constant 0 : i32
      %dma_wait3A_292 = tpu.memref_slice %arg9[%dma_wait3A_289, %dma_wait3A_290, %dma_wait3A_291] : memref<5x80x16xf32, #tpu.memory_space<vmem>> -> memref<1x80x16xf32, #tpu.memory_space<vmem>>
      %dma_wait3A_293 = tpu.memref_squeeze %dma_wait3A_292 : memref<1x80x16xf32, #tpu.memory_space<vmem>> -> memref<80x16xf32, #tpu.memory_space<vmem>>
      %dma_wait3A_294 = arith.constant 0 : i32
      %dma_wait3A_295 = tpu.memref_slice %arg7[%add3A_283, %dma_wait3A_294] : memref<125x80xi32, #tpu.memory_space<vmem>> -> memref<1x80xi32, #tpu.memory_space<vmem>>
      %dma_wait3A_296 = tpu.memref_squeeze %dma_wait3A_295 : memref<1x80xi32, #tpu.memory_space<vmem>> -> memref<80xi32, #tpu.memory_space<vmem>>
      %dma_wait3A_297 = arith.constant 0 : i32
      %dma_wait3A_298 = arith.constant 0 : i32
      %dma_wait3A_299 = tpu.memref_slice %arg2[%dma_wait3A_297, %dma_wait3A_298] : memref<10000x16xf32, #tpu.memory_space<hbm>> -> memref<10000x16xf32, #tpu.memory_space<hbm>>
      tpu.wait_indirect_dma semaphore(%arg14 : memref<!tpu.dma_semaphore, #tpu.memory_space<semaphore_mem>>) src(%dma_wait3A_299 : memref<10000x16xf32, #tpu.memory_space<hbm>>) dst(%dma_wait3A_293 : memref<80x16xf32, #tpu.memory_space<vmem>>)
      %dma_start3A_300 = arith.constant 3 : i32
      %dma_start3A_301 = arith.constant 0 : i32
      %dma_start3A_302 = arith.constant 0 : i32
      %dma_start3A_303 = tpu.memref_slice %arg9[%dma_start3A_300, %dma_start3A_301, %dma_start3A_302] : memref<5x80x16xf32, #tpu.memory_space<vmem>> -> memref<1x80x16xf32, #tpu.memory_space<vmem>>
      %dma_start3A_304 = tpu.memref_squeeze %dma_start3A_303 : memref<1x80x16xf32, #tpu.memory_space<vmem>> -> memref<80x16xf32, #tpu.memory_space<vmem>>
      %dma_start3A_305 = arith.constant 0 : i32
      %dma_start3A_306 = tpu.memref_slice %arg8[%add3A_283, %dma_start3A_305] : memref<125x80xi32, #tpu.memory_space<vmem>> -> memref<1x80xi32, #tpu.memory_space<vmem>>
      %dma_start3A_307 = tpu.memref_squeeze %dma_start3A_306 : memref<1x80xi32, #tpu.memory_space<vmem>> -> memref<80xi32, #tpu.memory_space<vmem>>
      %dma_start3A_308 = arith.constant 0 : i32
      %dma_start3A_309 = arith.constant 0 : i32
      %dma_start3A_310 = tpu.memref_slice %arg10[%dma_start3A_308, %dma_start3A_309] : memref<10112x16xf32, #tpu.memory_space<vmem_shared>> -> memref<10112x16xf32, #tpu.memory_space<vmem_shared>>
      tpu.enqueue_indirect_dma source(%dma_start3A_304 : memref<80x16xf32, #tpu.memory_space<vmem>>) target(%dma_start3A_310 : memref<10112x16xf32, #tpu.memory_space<vmem_shared>>) offsets(%dma_start3A_307 : memref<80xi32, #tpu.memory_space<vmem>>) semaphore(%arg19 : memref<!tpu.dma_semaphore, #tpu.memory_space<semaphore_mem>>) {add = true}
      %mul3A_311 = arith.constant 5 : i32
      %mul3A_312 = arith.muli %scan3A_165, %mul3A_311 : i32
      %add3A_313 = arith.constant 4 : i32
      %add3A_314 = arith.addi %mul3A_312, %add3A_313 : i32
      %add3A_315 = arith.constant 4 : i32
      %add3A_316 = arith.addi %add3A_314, %add3A_315 : i32
      %mul3A_317 = arith.constant 5 : i32
      %mul3A_318 = arith.muli %scan3A_165, %mul3A_317 : i32
      %add3A_319 = arith.constant 4 : i32
      %add3A_320 = arith.addi %mul3A_318, %add3A_319 : i32
      %lt3A_321 = arith.constant 125 : i32
      %lt3A_322 = arith.cmpi slt, %add3A_316, %lt3A_321 : i32
      %convert_element_type3A_323 = arith.extui %lt3A_322 : i1 to i32
      %cond3A_324 = arith.constant 0 : i32
      %cond3A_325 = arith.cmpi ne, %convert_element_type3A_323, %cond3A_324 : i32
      scf.if %cond3A_325 {
        %ge3A = arith.constant 5 : i32
        %ge3A_348 = arith.cmpi sge, %add3A_316, %ge3A : i32
        %convert_element_type3A_349 = arith.extui %ge3A_348 : i1 to i32
        %cond3A_350 = arith.constant 0 : i32
        %cond3A_351 = arith.cmpi ne, %convert_element_type3A_349, %cond3A_350 : i32
        scf.if %cond3A_351 {
          %sub3A = arith.constant 5 : i32
          %sub3A_363 = arith.subi %add3A_316, %sub3A : i32
          %dma_wait3A_364 = arith.constant 3 : i32
          %dma_wait3A_365 = arith.constant 0 : i32
          %dma_wait3A_366 = arith.constant 0 : i32
          %dma_wait3A_367 = tpu.memref_slice %arg9[%dma_wait3A_364, %dma_wait3A_365, %dma_wait3A_366] : memref<5x80x16xf32, #tpu.memory_space<vmem>> -> memref<1x80x16xf32, #tpu.memory_space<vmem>>
          %dma_wait3A_368 = tpu.memref_squeeze %dma_wait3A_367 : memref<1x80x16xf32, #tpu.memory_space<vmem>> -> memref<80x16xf32, #tpu.memory_space<vmem>>
          %dma_wait3A_369 = arith.constant 0 : i32
          %dma_wait3A_370 = tpu.memref_slice %arg8[%sub3A_363, %dma_wait3A_369] : memref<125x80xi32, #tpu.memory_space<vmem>> -> memref<1x80xi32, #tpu.memory_space<vmem>>
          %dma_wait3A_371 = tpu.memref_squeeze %dma_wait3A_370 : memref<1x80xi32, #tpu.memory_space<vmem>> -> memref<80xi32, #tpu.memory_space<vmem>>
          %dma_wait3A_372 = arith.constant 0 : i32
          %dma_wait3A_373 = arith.constant 0 : i32
          %dma_wait3A_374 = tpu.memref_slice %arg10[%dma_wait3A_372, %dma_wait3A_373] : memref<10112x16xf32, #tpu.memory_space<vmem_shared>> -> memref<10112x16xf32, #tpu.memory_space<vmem_shared>>
          tpu.wait_indirect_dma semaphore(%arg19 : memref<!tpu.dma_semaphore, #tpu.memory_space<semaphore_mem>>) src(%dma_wait3A_368 : memref<80x16xf32, #tpu.memory_space<vmem>>) dst(%dma_wait3A_374 : memref<10112x16xf32, #tpu.memory_space<vmem_shared>>)
        } else {
        }
        %dma_start3A_352 = arith.constant 3 : i32
        %dma_start3A_353 = arith.constant 0 : i32
        %dma_start3A_354 = arith.constant 0 : i32
        %dma_start3A_355 = tpu.memref_slice %arg9[%dma_start3A_352, %dma_start3A_353, %dma_start3A_354] : memref<5x80x16xf32, #tpu.memory_space<vmem>> -> memref<1x80x16xf32, #tpu.memory_space<vmem>>
        %dma_start3A_356 = tpu.memref_squeeze %dma_start3A_355 : memref<1x80x16xf32, #tpu.memory_space<vmem>> -> memref<80x16xf32, #tpu.memory_space<vmem>>
        %dma_start3A_357 = arith.constant 0 : i32
        %dma_start3A_358 = tpu.memref_slice %arg7[%add3A_316, %dma_start3A_357] : memref<125x80xi32, #tpu.memory_space<vmem>> -> memref<1x80xi32, #tpu.memory_space<vmem>>
        %dma_start3A_359 = tpu.memref_squeeze %dma_start3A_358 : memref<1x80xi32, #tpu.memory_space<vmem>> -> memref<80xi32, #tpu.memory_space<vmem>>
        %dma_start3A_360 = arith.constant 0 : i32
        %dma_start3A_361 = arith.constant 0 : i32
        %dma_start3A_362 = tpu.memref_slice %arg2[%dma_start3A_360, %dma_start3A_361] : memref<10000x16xf32, #tpu.memory_space<hbm>> -> memref<10000x16xf32, #tpu.memory_space<hbm>>
        tpu.enqueue_indirect_dma source(%dma_start3A_362 : memref<10000x16xf32, #tpu.memory_space<hbm>>) target(%dma_start3A_356 : memref<80x16xf32, #tpu.memory_space<vmem>>) offsets(%dma_start3A_359 : memref<80xi32, #tpu.memory_space<vmem>>) semaphore(%arg14 : memref<!tpu.dma_semaphore, #tpu.memory_space<semaphore_mem>>)
      } else {
      }
      %dma_wait3A_326 = arith.constant 4 : i32
      %dma_wait3A_327 = arith.constant 0 : i32
      %dma_wait3A_328 = arith.constant 0 : i32
      %dma_wait3A_329 = tpu.memref_slice %arg9[%dma_wait3A_326, %dma_wait3A_327, %dma_wait3A_328] : memref<5x80x16xf32, #tpu.memory_space<vmem>> -> memref<1x80x16xf32, #tpu.memory_space<vmem>>
      %dma_wait3A_330 = tpu.memref_squeeze %dma_wait3A_329 : memref<1x80x16xf32, #tpu.memory_space<vmem>> -> memref<80x16xf32, #tpu.memory_space<vmem>>
      %dma_wait3A_331 = arith.constant 0 : i32
      %dma_wait3A_332 = tpu.memref_slice %arg7[%add3A_320, %dma_wait3A_331] : memref<125x80xi32, #tpu.memory_space<vmem>> -> memref<1x80xi32, #tpu.memory_space<vmem>>
      %dma_wait3A_333 = tpu.memref_squeeze %dma_wait3A_332 : memref<1x80xi32, #tpu.memory_space<vmem>> -> memref<80xi32, #tpu.memory_space<vmem>>
      %dma_wait3A_334 = arith.constant 0 : i32
      %dma_wait3A_335 = arith.constant 0 : i32
      %dma_wait3A_336 = tpu.memref_slice %arg2[%dma_wait3A_334, %dma_wait3A_335] : memref<10000x16xf32, #tpu.memory_space<hbm>> -> memref<10000x16xf32, #tpu.memory_space<hbm>>
      tpu.wait_indirect_dma semaphore(%arg15 : memref<!tpu.dma_semaphore, #tpu.memory_space<semaphore_mem>>) src(%dma_wait3A_336 : memref<10000x16xf32, #tpu.memory_space<hbm>>) dst(%dma_wait3A_330 : memref<80x16xf32, #tpu.memory_space<vmem>>)
      %dma_start3A_337 = arith.constant 4 : i32
      %dma_start3A_338 = arith.constant 0 : i32
      %dma_start3A_339 = arith.constant 0 : i32
      %dma_start3A_340 = tpu.memref_slice %arg9[%dma_start3A_337, %dma_start3A_338, %dma_start3A_339] : memref<5x80x16xf32, #tpu.memory_space<vmem>> -> memref<1x80x16xf32, #tpu.memory_space<vmem>>
      %dma_start3A_341 = tpu.memref_squeeze %dma_start3A_340 : memref<1x80x16xf32, #tpu.memory_space<vmem>> -> memref<80x16xf32, #tpu.memory_space<vmem>>
      %dma_start3A_342 = arith.constant 0 : i32
      %dma_start3A_343 = tpu.memref_slice %arg8[%add3A_320, %dma_start3A_342] : memref<125x80xi32, #tpu.memory_space<vmem>> -> memref<1x80xi32, #tpu.memory_space<vmem>>
      %dma_start3A_344 = tpu.memref_squeeze %dma_start3A_343 : memref<1x80xi32, #tpu.memory_space<vmem>> -> memref<80xi32, #tpu.memory_space<vmem>>
      %dma_start3A_345 = arith.constant 0 : i32
      %dma_start3A_346 = arith.constant 0 : i32
      %dma_start3A_347 = tpu.memref_slice %arg10[%dma_start3A_345, %dma_start3A_346] : memref<10112x16xf32, #tpu.memory_space<vmem_shared>> -> memref<10112x16xf32, #tpu.memory_space<vmem_shared>>
      tpu.enqueue_indirect_dma source(%dma_start3A_341 : memref<80x16xf32, #tpu.memory_space<vmem>>) target(%dma_start3A_347 : memref<10112x16xf32, #tpu.memory_space<vmem_shared>>) offsets(%dma_start3A_344 : memref<80xi32, #tpu.memory_space<vmem>>) semaphore(%arg20 : memref<!tpu.dma_semaphore, #tpu.memory_space<semaphore_mem>>) {add = true}
    }
    %scan3A_99 = arith.constant 25 : i32
    %dma_wait3A_100 = arith.constant 0 : i32
    %dma_wait3A_101 = arith.constant 120 : i32
    %dma_wait3A_102 = arith.constant 0 : i32
    %dma_wait3A_103 = arith.constant 0 : i32
    %dma_wait3A_104 = tpu.memref_slice %arg9[%dma_wait3A_100, %dma_wait3A_102, %dma_wait3A_103] : memref<5x80x16xf32, #tpu.memory_space<vmem>> -> memref<1x80x16xf32, #tpu.memory_space<vmem>>
    %dma_wait3A_105 = tpu.memref_squeeze %dma_wait3A_104 : memref<1x80x16xf32, #tpu.memory_space<vmem>> -> memref<80x16xf32, #tpu.memory_space<vmem>>
    %dma_wait3A_106 = arith.constant 0 : i32
    %dma_wait3A_107 = tpu.memref_slice %arg8[%dma_wait3A_101, %dma_wait3A_106] : memref<125x80xi32, #tpu.memory_space<vmem>> -> memref<1x80xi32, #tpu.memory_space<vmem>>
    %dma_wait3A_108 = tpu.memref_squeeze %dma_wait3A_107 : memref<1x80xi32, #tpu.memory_space<vmem>> -> memref<80xi32, #tpu.memory_space<vmem>>
    %dma_wait3A_109 = arith.constant 0 : i32
    %dma_wait3A_110 = arith.constant 0 : i32
    %dma_wait3A_111 = tpu.memref_slice %arg10[%dma_wait3A_109, %dma_wait3A_110] : memref<10112x16xf32, #tpu.memory_space<vmem_shared>> -> memref<10112x16xf32, #tpu.memory_space<vmem_shared>>
    tpu.wait_indirect_dma semaphore(%arg16 : memref<!tpu.dma_semaphore, #tpu.memory_space<semaphore_mem>>) src(%dma_wait3A_105 : memref<80x16xf32, #tpu.memory_space<vmem>>) dst(%dma_wait3A_111 : memref<10112x16xf32, #tpu.memory_space<vmem_shared>>)
    %dma_wait3A_112 = arith.constant 1 : i32
    %dma_wait3A_113 = arith.constant 121 : i32
    %dma_wait3A_114 = arith.constant 0 : i32
    %dma_wait3A_115 = arith.constant 0 : i32
    %dma_wait3A_116 = tpu.memref_slice %arg9[%dma_wait3A_112, %dma_wait3A_114, %dma_wait3A_115] : memref<5x80x16xf32, #tpu.memory_space<vmem>> -> memref<1x80x16xf32, #tpu.memory_space<vmem>>
    %dma_wait3A_117 = tpu.memref_squeeze %dma_wait3A_116 : memref<1x80x16xf32, #tpu.memory_space<vmem>> -> memref<80x16xf32, #tpu.memory_space<vmem>>
    %dma_wait3A_118 = arith.constant 0 : i32
    %dma_wait3A_119 = tpu.memref_slice %arg8[%dma_wait3A_113, %dma_wait3A_118] : memref<125x80xi32, #tpu.memory_space<vmem>> -> memref<1x80xi32, #tpu.memory_space<vmem>>
    %dma_wait3A_120 = tpu.memref_squeeze %dma_wait3A_119 : memref<1x80xi32, #tpu.memory_space<vmem>> -> memref<80xi32, #tpu.memory_space<vmem>>
    %dma_wait3A_121 = arith.constant 0 : i32
    %dma_wait3A_122 = arith.constant 0 : i32
    %dma_wait3A_123 = tpu.memref_slice %arg10[%dma_wait3A_121, %dma_wait3A_122] : memref<10112x16xf32, #tpu.memory_space<vmem_shared>> -> memref<10112x16xf32, #tpu.memory_space<vmem_shared>>
    tpu.wait_indirect_dma semaphore(%arg17 : memref<!tpu.dma_semaphore, #tpu.memory_space<semaphore_mem>>) src(%dma_wait3A_117 : memref<80x16xf32, #tpu.memory_space<vmem>>) dst(%dma_wait3A_123 : memref<10112x16xf32, #tpu.memory_space<vmem_shared>>)
    %dma_wait3A_124 = arith.constant 2 : i32
    %dma_wait3A_125 = arith.constant 122 : i32
    %dma_wait3A_126 = arith.constant 0 : i32
    %dma_wait3A_127 = arith.constant 0 : i32
    %dma_wait3A_128 = tpu.memref_slice %arg9[%dma_wait3A_124, %dma_wait3A_126, %dma_wait3A_127] : memref<5x80x16xf32, #tpu.memory_space<vmem>> -> memref<1x80x16xf32, #tpu.memory_space<vmem>>
    %dma_wait3A_129 = tpu.memref_squeeze %dma_wait3A_128 : memref<1x80x16xf32, #tpu.memory_space<vmem>> -> memref<80x16xf32, #tpu.memory_space<vmem>>
    %dma_wait3A_130 = arith.constant 0 : i32
    %dma_wait3A_131 = tpu.memref_slice %arg8[%dma_wait3A_125, %dma_wait3A_130] : memref<125x80xi32, #tpu.memory_space<vmem>> -> memref<1x80xi32, #tpu.memory_space<vmem>>
    %dma_wait3A_132 = tpu.memref_squeeze %dma_wait3A_131 : memref<1x80xi32, #tpu.memory_space<vmem>> -> memref<80xi32, #tpu.memory_space<vmem>>
    %dma_wait3A_133 = arith.constant 0 : i32
    %dma_wait3A_134 = arith.constant 0 : i32
    %dma_wait3A_135 = tpu.memref_slice %arg10[%dma_wait3A_133, %dma_wait3A_134] : memref<10112x16xf32, #tpu.memory_space<vmem_shared>> -> memref<10112x16xf32, #tpu.memory_space<vmem_shared>>
    tpu.wait_indirect_dma semaphore(%arg18 : memref<!tpu.dma_semaphore, #tpu.memory_space<semaphore_mem>>) src(%dma_wait3A_129 : memref<80x16xf32, #tpu.memory_space<vmem>>) dst(%dma_wait3A_135 : memref<10112x16xf32, #tpu.memory_space<vmem_shared>>)
    %dma_wait3A_136 = arith.constant 3 : i32
    %dma_wait3A_137 = arith.constant 123 : i32
    %dma_wait3A_138 = arith.constant 0 : i32
    %dma_wait3A_139 = arith.constant 0 : i32
    %dma_wait3A_140 = tpu.memref_slice %arg9[%dma_wait3A_136, %dma_wait3A_138, %dma_wait3A_139] : memref<5x80x16xf32, #tpu.memory_space<vmem>> -> memref<1x80x16xf32, #tpu.memory_space<vmem>>
    %dma_wait3A_141 = tpu.memref_squeeze %dma_wait3A_140 : memref<1x80x16xf32, #tpu.memory_space<vmem>> -> memref<80x16xf32, #tpu.memory_space<vmem>>
    %dma_wait3A_142 = arith.constant 0 : i32
    %dma_wait3A_143 = tpu.memref_slice %arg8[%dma_wait3A_137, %dma_wait3A_142] : memref<125x80xi32, #tpu.memory_space<vmem>> -> memref<1x80xi32, #tpu.memory_space<vmem>>
    %dma_wait3A_144 = tpu.memref_squeeze %dma_wait3A_143 : memref<1x80xi32, #tpu.memory_space<vmem>> -> memref<80xi32, #tpu.memory_space<vmem>>
    %dma_wait3A_145 = arith.constant 0 : i32
    %dma_wait3A_146 = arith.constant 0 : i32
    %dma_wait3A_147 = tpu.memref_slice %arg10[%dma_wait3A_145, %dma_wait3A_146] : memref<10112x16xf32, #tpu.memory_space<vmem_shared>> -> memref<10112x16xf32, #tpu.memory_space<vmem_shared>>
    tpu.wait_indirect_dma semaphore(%arg19 : memref<!tpu.dma_semaphore, #tpu.memory_space<semaphore_mem>>) src(%dma_wait3A_141 : memref<80x16xf32, #tpu.memory_space<vmem>>) dst(%dma_wait3A_147 : memref<10112x16xf32, #tpu.memory_space<vmem_shared>>)
    %dma_wait3A_148 = arith.constant 4 : i32
    %dma_wait3A_149 = arith.constant 124 : i32
    %dma_wait3A_150 = arith.constant 0 : i32
    %dma_wait3A_151 = arith.constant 0 : i32
    %dma_wait3A_152 = tpu.memref_slice %arg9[%dma_wait3A_148, %dma_wait3A_150, %dma_wait3A_151] : memref<5x80x16xf32, #tpu.memory_space<vmem>> -> memref<1x80x16xf32, #tpu.memory_space<vmem>>
    %dma_wait3A_153 = tpu.memref_squeeze %dma_wait3A_152 : memref<1x80x16xf32, #tpu.memory_space<vmem>> -> memref<80x16xf32, #tpu.memory_space<vmem>>
    %dma_wait3A_154 = arith.constant 0 : i32
    %dma_wait3A_155 = tpu.memref_slice %arg8[%dma_wait3A_149, %dma_wait3A_154] : memref<125x80xi32, #tpu.memory_space<vmem>> -> memref<1x80xi32, #tpu.memory_space<vmem>>
    %dma_wait3A_156 = tpu.memref_squeeze %dma_wait3A_155 : memref<1x80xi32, #tpu.memory_space<vmem>> -> memref<80xi32, #tpu.memory_space<vmem>>
    %dma_wait3A_157 = arith.constant 0 : i32
    %dma_wait3A_158 = arith.constant 0 : i32
    %dma_wait3A_159 = tpu.memref_slice %arg10[%dma_wait3A_157, %dma_wait3A_158] : memref<10112x16xf32, #tpu.memory_space<vmem_shared>> -> memref<10112x16xf32, #tpu.memory_space<vmem_shared>>
    tpu.wait_indirect_dma semaphore(%arg20 : memref<!tpu.dma_semaphore, #tpu.memory_space<semaphore_mem>>) src(%dma_wait3A_153 : memref<80x16xf32, #tpu.memory_space<vmem>>) dst(%dma_wait3A_159 : memref<10112x16xf32, #tpu.memory_space<vmem_shared>>)
    %barrier3A_160 = arith.constant 0 : index
    tpu.barrier barrier_id(%barrier3A_160)
    %mul3A_161 = arith.constant 632 : i32
    %mul3A_162 = arith.muli %arg1, %mul3A_161 : i32
    %mul3A_163 = arith.constant 632 : i32
    %mul3A_164 = arith.muli %arg1, %mul3A_163 : i32
    "tpu.region"() ({
      %run_scoped3A = tpu.sem_alloc : memref<!tpu.dma_semaphore, #tpu.memory_space<semaphore_mem>>
      %dma_start3A_165 = arith.constant 0 : i32
      %dma_start3A_166 = tpu.memref_slice %arg6[%arg0, %mul3A_164, %dma_start3A_165] : memref<2x10112x16xf32, #tpu.memory_space<hbm>> -> memref<1x632x16xf32, #tpu.memory_space<hbm>>
      %dma_start3A_167 = tpu.memref_squeeze %dma_start3A_166 : memref<1x632x16xf32, #tpu.memory_space<hbm>> -> memref<632x16xf32, #tpu.memory_space<hbm>>
      %dma_start3A_168 = arith.constant 0 : i32
      %dma_start3A_169 = tpu.memref_slice %arg10[%mul3A_162, %dma_start3A_168] : memref<10112x16xf32, #tpu.memory_space<vmem_shared>> -> memref<632x16xf32, #tpu.memory_space<vmem_shared>>
      tpu.enqueue_dma source(%dma_start3A_169 : memref<632x16xf32, #tpu.memory_space<vmem_shared>>) target(%dma_start3A_167 : memref<632x16xf32, #tpu.memory_space<hbm>>) target_semaphore(%run_scoped3A : memref<!tpu.dma_semaphore, #tpu.memory_space<semaphore_mem>>)
      %dma_wait3A_170 = arith.constant 0 : i32
      %dma_wait3A_171 = tpu.memref_slice %arg6[%arg0, %mul3A_164, %dma_wait3A_170] : memref<2x10112x16xf32, #tpu.memory_space<hbm>> -> memref<1x632x16xf32, #tpu.memory_space<hbm>>
      %dma_wait3A_172 = tpu.memref_squeeze %dma_wait3A_171 : memref<1x632x16xf32, #tpu.memory_space<hbm>> -> memref<632x16xf32, #tpu.memory_space<hbm>>
      %dma_wait3A_173 = arith.constant 0 : i32
      %dma_wait3A_174 = tpu.memref_slice %arg10[%mul3A_162, %dma_wait3A_173] : memref<10112x16xf32, #tpu.memory_space<vmem_shared>> -> memref<632x16xf32, #tpu.memory_space<vmem_shared>>
      tpu.wait_dma2 semaphore(%run_scoped3A : memref<!tpu.dma_semaphore, #tpu.memory_space<semaphore_mem>>) src(%dma_wait3A_174 : memref<632x16xf32, #tpu.memory_space<vmem_shared>>) dst(%dma_wait3A_172 : memref<632x16xf32, #tpu.memory_space<hbm>>)
      tpu.yield
    }) : () -> ()
    return
  }
}

#map = affine_map<(d0, d1) -> (0, 0)>
#map1 = affine_map<(d0, d1) -> (0, 0, 0)>
module attributes {stable_mosaic.version = 14 : i64} {
  func.func @k(%arg0: i32, %arg1: i32, %arg2: memref<10000x16xf32, #tpu.memory_space<hbm>>, %arg3: memref<32x125x80xi32, #tpu.memory_space<hbm>>, %arg4: memref<32x125x80xi32, #tpu.memory_space<hbm>>, %arg5: memref<10112x16xf32, #tpu.memory_space<hbm>>, %arg6: memref<2x10112x16xf32, #tpu.memory_space<hbm>>, %arg7: memref<125x80xi32, #tpu.memory_space<vmem>>, %arg8: memref<125x80xi32, #tpu.memory_space<vmem>>, %arg9: memref<5x80x16xf32, #tpu.memory_space<vmem>>, %arg10: memref<10112x16xf32, #tpu.memory_space<vmem_shared>>, %arg11: memref<!tpu.dma_semaphore, #tpu.memory_space<semaphore_mem>>, %arg12: memref<!tpu.dma_semaphore, #tpu.memory_space<semaphore_mem>>, %arg13: memref<!tpu.dma_semaphore, #tpu.memory_space<semaphore_mem>>, %arg14: memref<!tpu.dma_semaphore, #tpu.memory_space<semaphore_mem>>, %arg15: memref<!tpu.dma_semaphore, #tpu.memory_space<semaphore_mem>>, %arg16: memref<!tpu.dma_semaphore, #tpu.memory_space<semaphore_mem>>, %arg17: memref<!tpu.dma_semaphore, #tpu.memory_space<semaphore_mem>>, %arg18: memref<!tpu.dma_semaphore, #tpu.memory_space<semaphore_mem>>, %arg19: memref<!tpu.dma_semaphore, #tpu.memory_space<semaphore_mem>>, %arg20: memref<!tpu.dma_semaphore, #tpu.memory_space<semaphore_mem>>, %arg21: memref<!tpu.dma_semaphore, #tpu.memory_space<semaphore_mem>>, %arg22: memref<!tpu.dma_semaphore, #tpu.memory_space<semaphore_mem>>, %arg23: memref<!tpu.dma_semaphore, #tpu.memory_space<semaphore_mem>>) attributes {dimension_semantics = [#tpu.dimension_semantics<core_parallel>, #tpu.dimension_semantics<subcore_parallel>], iteration_bounds = array<i64: 2, 16>, scalar_prefetch = 0 : i64, scratch_operands = 17 : i64, tpu.core_type = #tpu.core_type<sc_vector_subcore>, window_params = [{transform_indices = #map}, {transform_indices = #map1}, {transform_indices = #map1}, {transform_indices = #map}, {transform_indices = #map1}]} {
    %mul3A = arith.constant 2 : i32
    %mul3A_0 = arith.muli %arg1, %mul3A : i32
    %add3A = arith.addi %mul3A_0, %arg0 : i32
    %mul3A_1 = arith.constant 632 : i32
    %mul3A_2 = arith.muli %arg1, %mul3A_1 : i32
    %mul3A_3 = arith.constant 632 : i32
    %mul3A_4 = arith.muli %arg1, %mul3A_3 : i32
    %dma_start3A = arith.constant 0 : i32
    %dma_start3A_5 = tpu.memref_slice %arg10[%mul3A_4, %dma_start3A] : memref<10112x16xf32, #tpu.memory_space<vmem_shared>> -> memref<632x16xf32, #tpu.memory_space<vmem_shared>>
    %dma_start3A_6 = arith.constant 0 : i32
    %dma_start3A_7 = tpu.memref_slice %arg5[%mul3A_2, %dma_start3A_6] : memref<10112x16xf32, #tpu.memory_space<hbm>> -> memref<632x16xf32, #tpu.memory_space<hbm>>
    tpu.enqueue_dma source(%dma_start3A_7 : memref<632x16xf32, #tpu.memory_space<hbm>>) target(%dma_start3A_5 : memref<632x16xf32, #tpu.memory_space<vmem_shared>>) target_semaphore(%arg21 : memref<!tpu.dma_semaphore, #tpu.memory_space<semaphore_mem>>)
    %dma_start3A_8 = arith.constant 0 : i32
    %dma_start3A_9 = arith.constant 0 : i32
    %dma_start3A_10 = tpu.memref_slice %arg3[%add3A, %dma_start3A_8, %dma_start3A_9] : memref<32x125x80xi32, #tpu.memory_space<hbm>> -> memref<1x125x80xi32, #tpu.memory_space<hbm>>
    %dma_start3A_11 = tpu.memref_squeeze %dma_start3A_10 : memref<1x125x80xi32, #tpu.memory_space<hbm>> -> memref<125x80xi32, #tpu.memory_space<hbm>>
    %dma_start3A_12 = arith.constant 0 : i32
    %dma_start3A_13 = arith.constant 0 : i32
    %dma_start3A_14 = tpu.memref_slice %arg3[%add3A, %dma_start3A_12, %dma_start3A_13] : memref<32x125x80xi32, #tpu.memory_space<hbm>> -> memref<1x125x80xi32, #tpu.memory_space<hbm>>
    %dma_start3A_15 = tpu.memref_squeeze %dma_start3A_14 : memref<1x125x80xi32, #tpu.memory_space<hbm>> -> memref<125x80xi32, #tpu.memory_space<hbm>>
    tpu.enqueue_dma source(%dma_start3A_15 : memref<125x80xi32, #tpu.memory_space<hbm>>) target(%arg7 : memref<125x80xi32, #tpu.memory_space<vmem>>) target_semaphore(%arg22 : memref<!tpu.dma_semaphore, #tpu.memory_space<semaphore_mem>>)
    %dma_start3A_16 = arith.constant 0 : i32
    %dma_start3A_17 = arith.constant 0 : i32
    %dma_start3A_18 = tpu.memref_slice %arg4[%add3A, %dma_start3A_16, %dma_start3A_17] : memref<32x125x80xi32, #tpu.memory_space<hbm>> -> memref<1x125x80xi32, #tpu.memory_space<hbm>>
    %dma_start3A_19 = tpu.memref_squeeze %dma_start3A_18 : memref<1x125x80xi32, #tpu.memory_space<hbm>> -> memref<125x80xi32, #tpu.memory_space<hbm>>
    %dma_start3A_20 = arith.constant 0 : i32
    %dma_start3A_21 = arith.constant 0 : i32
    %dma_start3A_22 = tpu.memref_slice %arg4[%add3A, %dma_start3A_20, %dma_start3A_21] : memref<32x125x80xi32, #tpu.memory_space<hbm>> -> memref<1x125x80xi32, #tpu.memory_space<hbm>>
    %dma_start3A_23 = tpu.memref_squeeze %dma_start3A_22 : memref<1x125x80xi32, #tpu.memory_space<hbm>> -> memref<125x80xi32, #tpu.memory_space<hbm>>
    tpu.enqueue_dma source(%dma_start3A_23 : memref<125x80xi32, #tpu.memory_space<hbm>>) target(%arg8 : memref<125x80xi32, #tpu.memory_space<vmem>>) target_semaphore(%arg23 : memref<!tpu.dma_semaphore, #tpu.memory_space<semaphore_mem>>)
    %dma_wait3A = arith.constant 0 : i32
    %dma_wait3A_24 = arith.constant 0 : i32
    %dma_wait3A_25 = tpu.memref_slice %arg3[%add3A, %dma_wait3A, %dma_wait3A_24] : memref<32x125x80xi32, #tpu.memory_space<hbm>> -> memref<1x125x80xi32, #tpu.memory_space<hbm>>
    %dma_wait3A_26 = tpu.memref_squeeze %dma_wait3A_25 : memref<1x125x80xi32, #tpu.memory_space<hbm>> -> memref<125x80xi32, #tpu.memory_space<hbm>>
    %dma_wait3A_27 = arith.constant 0 : i32
    %dma_wait3A_28 = arith.constant 0 : i32
    %dma_wait3A_29 = tpu.memref_slice %arg3[%add3A, %dma_wait3A_27, %dma_wait3A_28] : memref<32x125x80xi32, #tpu.memory_space<hbm>> -> memref<1x125x80xi32, #tpu.memory_space<hbm>>
    %dma_wait3A_30 = tpu.memref_squeeze %dma_wait3A_29 : memref<1x125x80xi32, #tpu.memory_space<hbm>> -> memref<125x80xi32, #tpu.memory_space<hbm>>
    tpu.wait_dma2 semaphore(%arg22 : memref<!tpu.dma_semaphore, #tpu.memory_space<semaphore_mem>>) src(%dma_wait3A_30 : memref<125x80xi32, #tpu.memory_space<hbm>>) dst(%arg7 : memref<125x80xi32, #tpu.memory_space<vmem>>)
    %dma_wait3A_31 = arith.constant 0 : i32
    %dma_wait3A_32 = arith.constant 0 : i32
    %dma_wait3A_33 = tpu.memref_slice %arg4[%add3A, %dma_wait3A_31, %dma_wait3A_32] : memref<32x125x80xi32, #tpu.memory_space<hbm>> -> memref<1x125x80xi32, #tpu.memory_space<hbm>>
    %dma_wait3A_34 = tpu.memref_squeeze %dma_wait3A_33 : memref<1x125x80xi32, #tpu.memory_space<hbm>> -> memref<125x80xi32, #tpu.memory_space<hbm>>
    %dma_wait3A_35 = arith.constant 0 : i32
    %dma_wait3A_36 = arith.constant 0 : i32
    %dma_wait3A_37 = tpu.memref_slice %arg4[%add3A, %dma_wait3A_35, %dma_wait3A_36] : memref<32x125x80xi32, #tpu.memory_space<hbm>> -> memref<1x125x80xi32, #tpu.memory_space<hbm>>
    %dma_wait3A_38 = tpu.memref_squeeze %dma_wait3A_37 : memref<1x125x80xi32, #tpu.memory_space<hbm>> -> memref<125x80xi32, #tpu.memory_space<hbm>>
    tpu.wait_dma2 semaphore(%arg23 : memref<!tpu.dma_semaphore, #tpu.memory_space<semaphore_mem>>) src(%dma_wait3A_38 : memref<125x80xi32, #tpu.memory_space<hbm>>) dst(%arg8 : memref<125x80xi32, #tpu.memory_space<vmem>>)
    %dma_start3A_39 = arith.constant 0 : i32
    %dma_start3A_40 = arith.constant 0 : i32
    %dma_start3A_41 = arith.constant 0 : i32
    %dma_start3A_42 = arith.constant 0 : i32
    %dma_start3A_43 = tpu.memref_slice %arg9[%dma_start3A_40, %dma_start3A_41, %dma_start3A_42] : memref<5x80x16xf32, #tpu.memory_space<vmem>> -> memref<1x80x16xf32, #tpu.memory_space<vmem>>
    %dma_start3A_44 = tpu.memref_squeeze %dma_start3A_43 : memref<1x80x16xf32, #tpu.memory_space<vmem>> -> memref<80x16xf32, #tpu.memory_space<vmem>>
    %dma_start3A_45 = arith.constant 0 : i32
    %dma_start3A_46 = tpu.memref_slice %arg7[%dma_start3A_39, %dma_start3A_45] : memref<125x80xi32, #tpu.memory_space<vmem>> -> memref<1x80xi32, #tpu.memory_space<vmem>>
    %dma_start3A_47 = tpu.memref_squeeze %dma_start3A_46 : memref<1x80xi32, #tpu.memory_space<vmem>> -> memref<80xi32, #tpu.memory_space<vmem>>
    %dma_start3A_48 = arith.constant 0 : i32
    %dma_start3A_49 = arith.constant 0 : i32
    %dma_start3A_50 = tpu.memref_slice %arg2[%dma_start3A_48, %dma_start3A_49] : memref<10000x16xf32, #tpu.memory_space<hbm>> -> memref<10000x16xf32, #tpu.memory_space<hbm>>
    tpu.enqueue_indirect_dma source(%dma_start3A_50 : memref<10000x16xf32, #tpu.memory_space<hbm>>) target(%dma_start3A_44 : memref<80x16xf32, #tpu.memory_space<vmem>>) offsets(%dma_start3A_47 : memref<80xi32, #tpu.memory_space<vmem>>) semaphore(%arg11 : memref<!tpu.dma_semaphore, #tpu.memory_space<semaphore_mem>>)
    %dma_start3A_51 = arith.constant 1 : i32
    %dma_start3A_52 = arith.constant 1 : i32
    %dma_start3A_53 = arith.constant 0 : i32
    %dma_start3A_54 = arith.constant 0 : i32
    %dma_start3A_55 = tpu.memref_slice %arg9[%dma_start3A_52, %dma_start3A_53, %dma_start3A_54] : memref<5x80x16xf32, #tpu.memory_space<vmem>> -> memref<1x80x16xf32, #tpu.memory_space<vmem>>
    %dma_start3A_56 = tpu.memref_squeeze %dma_start3A_55 : memref<1x80x16xf32, #tpu.memory_space<vmem>> -> memref<80x16xf32, #tpu.memory_space<vmem>>
    %dma_start3A_57 = arith.constant 0 : i32
    %dma_start3A_58 = tpu.memref_slice %arg7[%dma_start3A_51, %dma_start3A_57] : memref<125x80xi32, #tpu.memory_space<vmem>> -> memref<1x80xi32, #tpu.memory_space<vmem>>
    %dma_start3A_59 = tpu.memref_squeeze %dma_start3A_58 : memref<1x80xi32, #tpu.memory_space<vmem>> -> memref<80xi32, #tpu.memory_space<vmem>>
    %dma_start3A_60 = arith.constant 0 : i32
    %dma_start3A_61 = arith.constant 0 : i32
    %dma_start3A_62 = tpu.memref_slice %arg2[%dma_start3A_60, %dma_start3A_61] : memref<10000x16xf32, #tpu.memory_space<hbm>> -> memref<10000x16xf32, #tpu.memory_space<hbm>>
    tpu.enqueue_indirect_dma source(%dma_start3A_62 : memref<10000x16xf32, #tpu.memory_space<hbm>>) target(%dma_start3A_56 : memref<80x16xf32, #tpu.memory_space<vmem>>) offsets(%dma_start3A_59 : memref<80xi32, #tpu.memory_space<vmem>>) semaphore(%arg12 : memref<!tpu.dma_semaphore, #tpu.memory_space<semaphore_mem>>)
    %dma_start3A_63 = arith.constant 2 : i32
    %dma_start3A_64 = arith.constant 2 : i32
    %dma_start3A_65 = arith.constant 0 : i32
    %dma_start3A_66 = arith.constant 0 : i32
    %dma_start3A_67 = tpu.memref_slice %arg9[%dma_start3A_64, %dma_start3A_65, %dma_start3A_66] : memref<5x80x16xf32, #tpu.memory_space<vmem>> -> memref<1x80x16xf32, #tpu.memory_space<vmem>>
    %dma_start3A_68 = tpu.memref_squeeze %dma_start3A_67 : memref<1x80x16xf32, #tpu.memory_space<vmem>> -> memref<80x16xf32, #tpu.memory_space<vmem>>
    %dma_start3A_69 = arith.constant 0 : i32
    %dma_start3A_70 = tpu.memref_slice %arg7[%dma_start3A_63, %dma_start3A_69] : memref<125x80xi32, #tpu.memory_space<vmem>> -> memref<1x80xi32, #tpu.memory_space<vmem>>
    %dma_start3A_71 = tpu.memref_squeeze %dma_start3A_70 : memref<1x80xi32, #tpu.memory_space<vmem>> -> memref<80xi32, #tpu.memory_space<vmem>>
    %dma_start3A_72 = arith.constant 0 : i32
    %dma_start3A_73 = arith.constant 0 : i32
    %dma_start3A_74 = tpu.memref_slice %arg2[%dma_start3A_72, %dma_start3A_73] : memref<10000x16xf32, #tpu.memory_space<hbm>> -> memref<10000x16xf32, #tpu.memory_space<hbm>>
    tpu.enqueue_indirect_dma source(%dma_start3A_74 : memref<10000x16xf32, #tpu.memory_space<hbm>>) target(%dma_start3A_68 : memref<80x16xf32, #tpu.memory_space<vmem>>) offsets(%dma_start3A_71 : memref<80xi32, #tpu.memory_space<vmem>>) semaphore(%arg13 : memref<!tpu.dma_semaphore, #tpu.memory_space<semaphore_mem>>)
    %dma_start3A_75 = arith.constant 3 : i32
    %dma_start3A_76 = arith.constant 3 : i32
    %dma_start3A_77 = arith.constant 0 : i32
    %dma_start3A_78 = arith.constant 0 : i32
    %dma_start3A_79 = tpu.memref_slice %arg9[%dma_start3A_76, %dma_start3A_77, %dma_start3A_78] : memref<5x80x16xf32, #tpu.memory_space<vmem>> -> memref<1x80x16xf32, #tpu.memory_space<vmem>>
    %dma_start3A_80 = tpu.memref_squeeze %dma_start3A_79 : memref<1x80x16xf32, #tpu.memory_space<vmem>> -> memref<80x16xf32, #tpu.memory_space<vmem>>
    %dma_start3A_81 = arith.constant 0 : i32
    %dma_start3A_82 = tpu.memref_slice %arg7[%dma_start3A_75, %dma_start3A_81] : memref<125x80xi32, #tpu.memory_space<vmem>> -> memref<1x80xi32, #tpu.memory_space<vmem>>
    %dma_start3A_83 = tpu.memref_squeeze %dma_start3A_82 : memref<1x80xi32, #tpu.memory_space<vmem>> -> memref<80xi32, #tpu.memory_space<vmem>>
    %dma_start3A_84 = arith.constant 0 : i32
    %dma_start3A_85 = arith.constant 0 : i32
    %dma_start3A_86 = tpu.memref_slice %arg2[%dma_start3A_84, %dma_start3A_85] : memref<10000x16xf32, #tpu.memory_space<hbm>> -> memref<10000x16xf32, #tpu.memory_space<hbm>>
    tpu.enqueue_indirect_dma source(%dma_start3A_86 : memref<10000x16xf32, #tpu.memory_space<hbm>>) target(%dma_start3A_80 : memref<80x16xf32, #tpu.memory_space<vmem>>) offsets(%dma_start3A_83 : memref<80xi32, #tpu.memory_space<vmem>>) semaphore(%arg14 : memref<!tpu.dma_semaphore, #tpu.memory_space<semaphore_mem>>)
    %mul3A_87 = arith.constant 632 : i32
    %mul3A_88 = arith.muli %arg1, %mul3A_87 : i32
    %mul3A_89 = arith.constant 632 : i32
    %mul3A_90 = arith.muli %arg1, %mul3A_89 : i32
    %dma_wait3A_91 = arith.constant 0 : i32
    %dma_wait3A_92 = tpu.memref_slice %arg10[%mul3A_90, %dma_wait3A_91] : memref<10112x16xf32, #tpu.memory_space<vmem_shared>> -> memref<632x16xf32, #tpu.memory_space<vmem_shared>>
    %dma_wait3A_93 = arith.constant 0 : i32
    %dma_wait3A_94 = tpu.memref_slice %arg5[%mul3A_88, %dma_wait3A_93] : memref<10112x16xf32, #tpu.memory_space<hbm>> -> memref<632x16xf32, #tpu.memory_space<hbm>>
    tpu.wait_dma2 semaphore(%arg21 : memref<!tpu.dma_semaphore, #tpu.memory_space<semaphore_mem>>) src(%dma_wait3A_94 : memref<632x16xf32, #tpu.memory_space<hbm>>) dst(%dma_wait3A_92 : memref<632x16xf32, #tpu.memory_space<vmem_shared>>)
    %barrier3A = arith.constant 0 : index
    tpu.barrier barrier_id(%barrier3A)
    %scan3A = arith.constant 0 : i32
    %scan3A_95 = arith.constant 0 : i32
    %scan3A_96 = arith.constant 25 : i32
    %scan3A_97 = arith.addi %scan3A_95, %scan3A_96 : i32
    %scan3A_98 = arith.constant 1 : i32
    scf.for %scan3A_165 = %scan3A_95 to %scan3A_97 step %scan3A_98  : i32 {
      %mul3A_166 = arith.constant 5 : i32
      %mul3A_167 = arith.muli %scan3A_165, %mul3A_166 : i32
      %add3A_168 = arith.constant 0 : i32
      %add3A_169 = arith.addi %mul3A_167, %add3A_168 : i32
      %add3A_170 = arith.constant 4 : i32
      %add3A_171 = arith.addi %add3A_169, %add3A_170 : i32
      %mul3A_172 = arith.constant 5 : i32
      %mul3A_173 = arith.muli %scan3A_165, %mul3A_172 : i32
      %add3A_174 = arith.constant 0 : i32
      %add3A_175 = arith.addi %mul3A_173, %add3A_174 : i32
      %lt3A = arith.constant 125 : i32
      %lt3A_176 = arith.cmpi slt, %add3A_171, %lt3A : i32
      %convert_element_type3A = arith.extui %lt3A_176 : i1 to i32
      %cond3A = arith.constant 0 : i32
      %cond3A_177 = arith.cmpi ne, %convert_element_type3A, %cond3A : i32
      scf.if %cond3A_177 {
        %ge3A = arith.constant 5 : i32
        %ge3A_348 = arith.cmpi sge, %add3A_171, %ge3A : i32
        %convert_element_type3A_349 = arith.extui %ge3A_348 : i1 to i32
        %cond3A_350 = arith.constant 0 : i32
        %cond3A_351 = arith.cmpi ne, %convert_element_type3A_349, %cond3A_350 : i32
        scf.if %cond3A_351 {
          %sub3A = arith.constant 5 : i32
          %sub3A_363 = arith.subi %add3A_171, %sub3A : i32
          %dma_wait3A_364 = arith.constant 4 : i32
          %dma_wait3A_365 = arith.constant 0 : i32
          %dma_wait3A_366 = arith.constant 0 : i32
          %dma_wait3A_367 = tpu.memref_slice %arg9[%dma_wait3A_364, %dma_wait3A_365, %dma_wait3A_366] : memref<5x80x16xf32, #tpu.memory_space<vmem>> -> memref<1x80x16xf32, #tpu.memory_space<vmem>>
          %dma_wait3A_368 = tpu.memref_squeeze %dma_wait3A_367 : memref<1x80x16xf32, #tpu.memory_space<vmem>> -> memref<80x16xf32, #tpu.memory_space<vmem>>
          %dma_wait3A_369 = arith.constant 0 : i32
          %dma_wait3A_370 = tpu.memref_slice %arg8[%sub3A_363, %dma_wait3A_369] : memref<125x80xi32, #tpu.memory_space<vmem>> -> memref<1x80xi32, #tpu.memory_space<vmem>>
          %dma_wait3A_371 = tpu.memref_squeeze %dma_wait3A_370 : memref<1x80xi32, #tpu.memory_space<vmem>> -> memref<80xi32, #tpu.memory_space<vmem>>
          %dma_wait3A_372 = arith.constant 0 : i32
          %dma_wait3A_373 = arith.constant 0 : i32
          %dma_wait3A_374 = tpu.memref_slice %arg10[%dma_wait3A_372, %dma_wait3A_373] : memref<10112x16xf32, #tpu.memory_space<vmem_shared>> -> memref<10112x16xf32, #tpu.memory_space<vmem_shared>>
          tpu.wait_indirect_dma semaphore(%arg20 : memref<!tpu.dma_semaphore, #tpu.memory_space<semaphore_mem>>) src(%dma_wait3A_368 : memref<80x16xf32, #tpu.memory_space<vmem>>) dst(%dma_wait3A_374 : memref<10112x16xf32, #tpu.memory_space<vmem_shared>>)
        } else {
        }
        %dma_start3A_352 = arith.constant 4 : i32
        %dma_start3A_353 = arith.constant 0 : i32
        %dma_start3A_354 = arith.constant 0 : i32
        %dma_start3A_355 = tpu.memref_slice %arg9[%dma_start3A_352, %dma_start3A_353, %dma_start3A_354] : memref<5x80x16xf32, #tpu.memory_space<vmem>> -> memref<1x80x16xf32, #tpu.memory_space<vmem>>
        %dma_start3A_356 = tpu.memref_squeeze %dma_start3A_355 : memref<1x80x16xf32, #tpu.memory_space<vmem>> -> memref<80x16xf32, #tpu.memory_space<vmem>>
        %dma_start3A_357 = arith.constant 0 : i32
        %dma_start3A_358 = tpu.memref_slice %arg7[%add3A_171, %dma_start3A_357] : memref<125x80xi32, #tpu.memory_space<vmem>> -> memref<1x80xi32, #tpu.memory_space<vmem>>
        %dma_start3A_359 = tpu.memref_squeeze %dma_start3A_358 : memref<1x80xi32, #tpu.memory_space<vmem>> -> memref<80xi32, #tpu.memory_space<vmem>>
        %dma_start3A_360 = arith.constant 0 : i32
        %dma_start3A_361 = arith.constant 0 : i32
        %dma_start3A_362 = tpu.memref_slice %arg2[%dma_start3A_360, %dma_start3A_361] : memref<10000x16xf32, #tpu.memory_space<hbm>> -> memref<10000x16xf32, #tpu.memory_space<hbm>>
        tpu.enqueue_indirect_dma source(%dma_start3A_362 : memref<10000x16xf32, #tpu.memory_space<hbm>>) target(%dma_start3A_356 : memref<80x16xf32, #tpu.memory_space<vmem>>) offsets(%dma_start3A_359 : memref<80xi32, #tpu.memory_space<vmem>>) semaphore(%arg15 : memref<!tpu.dma_semaphore, #tpu.memory_space<semaphore_mem>>)
      } else {
      }
      %dma_wait3A_178 = arith.constant 0 : i32
      %dma_wait3A_179 = arith.constant 0 : i32
      %dma_wait3A_180 = arith.constant 0 : i32
      %dma_wait3A_181 = tpu.memref_slice %arg9[%dma_wait3A_178, %dma_wait3A_179, %dma_wait3A_180] : memref<5x80x16xf32, #tpu.memory_space<vmem>> -> memref<1x80x16xf32, #tpu.memory_space<vmem>>
      %dma_wait3A_182 = tpu.memref_squeeze %dma_wait3A_181 : memref<1x80x16xf32, #tpu.memory_space<vmem>> -> memref<80x16xf32, #tpu.memory_space<vmem>>
      %dma_wait3A_183 = arith.constant 0 : i32
      %dma_wait3A_184 = tpu.memref_slice %arg7[%add3A_175, %dma_wait3A_183] : memref<125x80xi32, #tpu.memory_space<vmem>> -> memref<1x80xi32, #tpu.memory_space<vmem>>
      %dma_wait3A_185 = tpu.memref_squeeze %dma_wait3A_184 : memref<1x80xi32, #tpu.memory_space<vmem>> -> memref<80xi32, #tpu.memory_space<vmem>>
      %dma_wait3A_186 = arith.constant 0 : i32
      %dma_wait3A_187 = arith.constant 0 : i32
      %dma_wait3A_188 = tpu.memref_slice %arg2[%dma_wait3A_186, %dma_wait3A_187] : memref<10000x16xf32, #tpu.memory_space<hbm>> -> memref<10000x16xf32, #tpu.memory_space<hbm>>
      tpu.wait_indirect_dma semaphore(%arg11 : memref<!tpu.dma_semaphore, #tpu.memory_space<semaphore_mem>>) src(%dma_wait3A_188 : memref<10000x16xf32, #tpu.memory_space<hbm>>) dst(%dma_wait3A_182 : memref<80x16xf32, #tpu.memory_space<vmem>>)
      %dma_start3A_189 = arith.constant 0 : i32
      %dma_start3A_190 = arith.constant 0 : i32
      %dma_start3A_191 = arith.constant 0 : i32
      %dma_start3A_192 = tpu.memref_slice %arg9[%dma_start3A_189, %dma_start3A_190, %dma_start3A_191] : memref<5x80x16xf32, #tpu.memory_space<vmem>> -> memref<1x80x16xf32, #tpu.memory_space<vmem>>
      %dma_start3A_193 = tpu.memref_squeeze %dma_start3A_192 : memref<1x80x16xf32, #tpu.memory_space<vmem>> -> memref<80x16xf32, #tpu.memory_space<vmem>>
      %dma_start3A_194 = arith.constant 0 : i32
      %dma_start3A_195 = tpu.memref_slice %arg8[%add3A_175, %dma_start3A_194] : memref<125x80xi32, #tpu.memory_space<vmem>> -> memref<1x80xi32, #tpu.memory_space<vmem>>
      %dma_start3A_196 = tpu.memref_squeeze %dma_start3A_195 : memref<1x80xi32, #tpu.memory_space<vmem>> -> memref<80xi32, #tpu.memory_space<vmem>>
      %dma_start3A_197 = arith.constant 0 : i32
      %dma_start3A_198 = arith.constant 0 : i32
      %dma_start3A_199 = tpu.memref_slice %arg10[%dma_start3A_197, %dma_start3A_198] : memref<10112x16xf32, #tpu.memory_space<vmem_shared>> -> memref<10112x16xf32, #tpu.memory_space<vmem_shared>>
      tpu.enqueue_indirect_dma source(%dma_start3A_193 : memref<80x16xf32, #tpu.memory_space<vmem>>) target(%dma_start3A_199 : memref<10112x16xf32, #tpu.memory_space<vmem_shared>>) offsets(%dma_start3A_196 : memref<80xi32, #tpu.memory_space<vmem>>) semaphore(%arg16 : memref<!tpu.dma_semaphore, #tpu.memory_space<semaphore_mem>>) {add = true}
      %mul3A_200 = arith.constant 5 : i32
      %mul3A_201 = arith.muli %scan3A_165, %mul3A_200 : i32
      %add3A_202 = arith.constant 1 : i32
      %add3A_203 = arith.addi %mul3A_201, %add3A_202 : i32
      %add3A_204 = arith.constant 4 : i32
      %add3A_205 = arith.addi %add3A_203, %add3A_204 : i32
      %mul3A_206 = arith.constant 5 : i32
      %mul3A_207 = arith.muli %scan3A_165, %mul3A_206 : i32
      %add3A_208 = arith.constant 1 : i32
      %add3A_209 = arith.addi %mul3A_207, %add3A_208 : i32
      %lt3A_210 = arith.constant 125 : i32
      %lt3A_211 = arith.cmpi slt, %add3A_205, %lt3A_210 : i32
      %convert_element_type3A_212 = arith.extui %lt3A_211 : i1 to i32
      %cond3A_213 = arith.constant 0 : i32
      %cond3A_214 = arith.cmpi ne, %convert_element_type3A_212, %cond3A_213 : i32
      scf.if %cond3A_214 {
        %ge3A = arith.constant 5 : i32
        %ge3A_348 = arith.cmpi sge, %add3A_205, %ge3A : i32
        %convert_element_type3A_349 = arith.extui %ge3A_348 : i1 to i32
        %cond3A_350 = arith.constant 0 : i32
        %cond3A_351 = arith.cmpi ne, %convert_element_type3A_349, %cond3A_350 : i32
        scf.if %cond3A_351 {
          %sub3A = arith.constant 5 : i32
          %sub3A_363 = arith.subi %add3A_205, %sub3A : i32
          %dma_wait3A_364 = arith.constant 0 : i32
          %dma_wait3A_365 = arith.constant 0 : i32
          %dma_wait3A_366 = arith.constant 0 : i32
          %dma_wait3A_367 = tpu.memref_slice %arg9[%dma_wait3A_364, %dma_wait3A_365, %dma_wait3A_366] : memref<5x80x16xf32, #tpu.memory_space<vmem>> -> memref<1x80x16xf32, #tpu.memory_space<vmem>>
          %dma_wait3A_368 = tpu.memref_squeeze %dma_wait3A_367 : memref<1x80x16xf32, #tpu.memory_space<vmem>> -> memref<80x16xf32, #tpu.memory_space<vmem>>
          %dma_wait3A_369 = arith.constant 0 : i32
          %dma_wait3A_370 = tpu.memref_slice %arg8[%sub3A_363, %dma_wait3A_369] : memref<125x80xi32, #tpu.memory_space<vmem>> -> memref<1x80xi32, #tpu.memory_space<vmem>>
          %dma_wait3A_371 = tpu.memref_squeeze %dma_wait3A_370 : memref<1x80xi32, #tpu.memory_space<vmem>> -> memref<80xi32, #tpu.memory_space<vmem>>
          %dma_wait3A_372 = arith.constant 0 : i32
          %dma_wait3A_373 = arith.constant 0 : i32
          %dma_wait3A_374 = tpu.memref_slice %arg10[%dma_wait3A_372, %dma_wait3A_373] : memref<10112x16xf32, #tpu.memory_space<vmem_shared>> -> memref<10112x16xf32, #tpu.memory_space<vmem_shared>>
          tpu.wait_indirect_dma semaphore(%arg16 : memref<!tpu.dma_semaphore, #tpu.memory_space<semaphore_mem>>) src(%dma_wait3A_368 : memref<80x16xf32, #tpu.memory_space<vmem>>) dst(%dma_wait3A_374 : memref<10112x16xf32, #tpu.memory_space<vmem_shared>>)
        } else {
        }
        %dma_start3A_352 = arith.constant 0 : i32
        %dma_start3A_353 = arith.constant 0 : i32
        %dma_start3A_354 = arith.constant 0 : i32
        %dma_start3A_355 = tpu.memref_slice %arg9[%dma_start3A_352, %dma_start3A_353, %dma_start3A_354] : memref<5x80x16xf32, #tpu.memory_space<vmem>> -> memref<1x80x16xf32, #tpu.memory_space<vmem>>
        %dma_start3A_356 = tpu.memref_squeeze %dma_start3A_355 : memref<1x80x16xf32, #tpu.memory_space<vmem>> -> memref<80x16xf32, #tpu.memory_space<vmem>>
        %dma_start3A_357 = arith.constant 0 : i32
        %dma_start3A_358 = tpu.memref_slice %arg7[%add3A_205, %dma_start3A_357] : memref<125x80xi32, #tpu.memory_space<vmem>> -> memref<1x80xi32, #tpu.memory_space<vmem>>
        %dma_start3A_359 = tpu.memref_squeeze %dma_start3A_358 : memref<1x80xi32, #tpu.memory_space<vmem>> -> memref<80xi32, #tpu.memory_space<vmem>>
        %dma_start3A_360 = arith.constant 0 : i32
        %dma_start3A_361 = arith.constant 0 : i32
        %dma_start3A_362 = tpu.memref_slice %arg2[%dma_start3A_360, %dma_start3A_361] : memref<10000x16xf32, #tpu.memory_space<hbm>> -> memref<10000x16xf32, #tpu.memory_space<hbm>>
        tpu.enqueue_indirect_dma source(%dma_start3A_362 : memref<10000x16xf32, #tpu.memory_space<hbm>>) target(%dma_start3A_356 : memref<80x16xf32, #tpu.memory_space<vmem>>) offsets(%dma_start3A_359 : memref<80xi32, #tpu.memory_space<vmem>>) semaphore(%arg11 : memref<!tpu.dma_semaphore, #tpu.memory_space<semaphore_mem>>)
      } else {
      }
      %dma_wait3A_215 = arith.constant 1 : i32
      %dma_wait3A_216 = arith.constant 0 : i32
      %dma_wait3A_217 = arith.constant 0 : i32
      %dma_wait3A_218 = tpu.memref_slice %arg9[%dma_wait3A_215, %dma_wait3A_216, %dma_wait3A_217] : memref<5x80x16xf32, #tpu.memory_space<vmem>> -> memref<1x80x16xf32, #tpu.memory_space<vmem>>
      %dma_wait3A_219 = tpu.memref_squeeze %dma_wait3A_218 : memref<1x80x16xf32, #tpu.memory_space<vmem>> -> memref<80x16xf32, #tpu.memory_space<vmem>>
      %dma_wait3A_220 = arith.constant 0 : i32
      %dma_wait3A_221 = tpu.memref_slice %arg7[%add3A_209, %dma_wait3A_220] : memref<125x80xi32, #tpu.memory_space<vmem>> -> memref<1x80xi32, #tpu.memory_space<vmem>>
      %dma_wait3A_222 = tpu.memref_squeeze %dma_wait3A_221 : memref<1x80xi32, #tpu.memory_space<vmem>> -> memref<80xi32, #tpu.memory_space<vmem>>
      %dma_wait3A_223 = arith.constant 0 : i32
      %dma_wait3A_224 = arith.constant 0 : i32
      %dma_wait3A_225 = tpu.memref_slice %arg2[%dma_wait3A_223, %dma_wait3A_224] : memref<10000x16xf32, #tpu.memory_space<hbm>> -> memref<10000x16xf32, #tpu.memory_space<hbm>>
      tpu.wait_indirect_dma semaphore(%arg12 : memref<!tpu.dma_semaphore, #tpu.memory_space<semaphore_mem>>) src(%dma_wait3A_225 : memref<10000x16xf32, #tpu.memory_space<hbm>>) dst(%dma_wait3A_219 : memref<80x16xf32, #tpu.memory_space<vmem>>)
      %dma_start3A_226 = arith.constant 1 : i32
      %dma_start3A_227 = arith.constant 0 : i32
      %dma_start3A_228 = arith.constant 0 : i32
      %dma_start3A_229 = tpu.memref_slice %arg9[%dma_start3A_226, %dma_start3A_227, %dma_start3A_228] : memref<5x80x16xf32, #tpu.memory_space<vmem>> -> memref<1x80x16xf32, #tpu.memory_space<vmem>>
      %dma_start3A_230 = tpu.memref_squeeze %dma_start3A_229 : memref<1x80x16xf32, #tpu.memory_space<vmem>> -> memref<80x16xf32, #tpu.memory_space<vmem>>
      %dma_start3A_231 = arith.constant 0 : i32
      %dma_start3A_232 = tpu.memref_slice %arg8[%add3A_209, %dma_start3A_231] : memref<125x80xi32, #tpu.memory_space<vmem>> -> memref<1x80xi32, #tpu.memory_space<vmem>>
      %dma_start3A_233 = tpu.memref_squeeze %dma_start3A_232 : memref<1x80xi32, #tpu.memory_space<vmem>> -> memref<80xi32, #tpu.memory_space<vmem>>
      %dma_start3A_234 = arith.constant 0 : i32
      %dma_start3A_235 = arith.constant 0 : i32
      %dma_start3A_236 = tpu.memref_slice %arg10[%dma_start3A_234, %dma_start3A_235] : memref<10112x16xf32, #tpu.memory_space<vmem_shared>> -> memref<10112x16xf32, #tpu.memory_space<vmem_shared>>
      tpu.enqueue_indirect_dma source(%dma_start3A_230 : memref<80x16xf32, #tpu.memory_space<vmem>>) target(%dma_start3A_236 : memref<10112x16xf32, #tpu.memory_space<vmem_shared>>) offsets(%dma_start3A_233 : memref<80xi32, #tpu.memory_space<vmem>>) semaphore(%arg17 : memref<!tpu.dma_semaphore, #tpu.memory_space<semaphore_mem>>) {add = true}
      %mul3A_237 = arith.constant 5 : i32
      %mul3A_238 = arith.muli %scan3A_165, %mul3A_237 : i32
      %add3A_239 = arith.constant 2 : i32
      %add3A_240 = arith.addi %mul3A_238, %add3A_239 : i32
      %add3A_241 = arith.constant 4 : i32
      %add3A_242 = arith.addi %add3A_240, %add3A_241 : i32
      %mul3A_243 = arith.constant 5 : i32
      %mul3A_244 = arith.muli %scan3A_165, %mul3A_243 : i32
      %add3A_245 = arith.constant 2 : i32
      %add3A_246 = arith.addi %mul3A_244, %add3A_245 : i32
      %lt3A_247 = arith.constant 125 : i32
      %lt3A_248 = arith.cmpi slt, %add3A_242, %lt3A_247 : i32
      %convert_element_type3A_249 = arith.extui %lt3A_248 : i1 to i32
      %cond3A_250 = arith.constant 0 : i32
      %cond3A_251 = arith.cmpi ne, %convert_element_type3A_249, %cond3A_250 : i32
      scf.if %cond3A_251 {
        %ge3A = arith.constant 5 : i32
        %ge3A_348 = arith.cmpi sge, %add3A_242, %ge3A : i32
        %convert_element_type3A_349 = arith.extui %ge3A_348 : i1 to i32
        %cond3A_350 = arith.constant 0 : i32
        %cond3A_351 = arith.cmpi ne, %convert_element_type3A_349, %cond3A_350 : i32
        scf.if %cond3A_351 {
          %sub3A = arith.constant 5 : i32
          %sub3A_363 = arith.subi %add3A_242, %sub3A : i32
          %dma_wait3A_364 = arith.constant 1 : i32
          %dma_wait3A_365 = arith.constant 0 : i32
          %dma_wait3A_366 = arith.constant 0 : i32
          %dma_wait3A_367 = tpu.memref_slice %arg9[%dma_wait3A_364, %dma_wait3A_365, %dma_wait3A_366] : memref<5x80x16xf32, #tpu.memory_space<vmem>> -> memref<1x80x16xf32, #tpu.memory_space<vmem>>
          %dma_wait3A_368 = tpu.memref_squeeze %dma_wait3A_367 : memref<1x80x16xf32, #tpu.memory_space<vmem>> -> memref<80x16xf32, #tpu.memory_space<vmem>>
          %dma_wait3A_369 = arith.constant 0 : i32
          %dma_wait3A_370 = tpu.memref_slice %arg8[%sub3A_363, %dma_wait3A_369] : memref<125x80xi32, #tpu.memory_space<vmem>> -> memref<1x80xi32, #tpu.memory_space<vmem>>
          %dma_wait3A_371 = tpu.memref_squeeze %dma_wait3A_370 : memref<1x80xi32, #tpu.memory_space<vmem>> -> memref<80xi32, #tpu.memory_space<vmem>>
          %dma_wait3A_372 = arith.constant 0 : i32
          %dma_wait3A_373 = arith.constant 0 : i32
          %dma_wait3A_374 = tpu.memref_slice %arg10[%dma_wait3A_372, %dma_wait3A_373] : memref<10112x16xf32, #tpu.memory_space<vmem_shared>> -> memref<10112x16xf32, #tpu.memory_space<vmem_shared>>
          tpu.wait_indirect_dma semaphore(%arg17 : memref<!tpu.dma_semaphore, #tpu.memory_space<semaphore_mem>>) src(%dma_wait3A_368 : memref<80x16xf32, #tpu.memory_space<vmem>>) dst(%dma_wait3A_374 : memref<10112x16xf32, #tpu.memory_space<vmem_shared>>)
        } else {
        }
        %dma_start3A_352 = arith.constant 1 : i32
        %dma_start3A_353 = arith.constant 0 : i32
        %dma_start3A_354 = arith.constant 0 : i32
        %dma_start3A_355 = tpu.memref_slice %arg9[%dma_start3A_352, %dma_start3A_353, %dma_start3A_354] : memref<5x80x16xf32, #tpu.memory_space<vmem>> -> memref<1x80x16xf32, #tpu.memory_space<vmem>>
        %dma_start3A_356 = tpu.memref_squeeze %dma_start3A_355 : memref<1x80x16xf32, #tpu.memory_space<vmem>> -> memref<80x16xf32, #tpu.memory_space<vmem>>
        %dma_start3A_357 = arith.constant 0 : i32
        %dma_start3A_358 = tpu.memref_slice %arg7[%add3A_242, %dma_start3A_357] : memref<125x80xi32, #tpu.memory_space<vmem>> -> memref<1x80xi32, #tpu.memory_space<vmem>>
        %dma_start3A_359 = tpu.memref_squeeze %dma_start3A_358 : memref<1x80xi32, #tpu.memory_space<vmem>> -> memref<80xi32, #tpu.memory_space<vmem>>
        %dma_start3A_360 = arith.constant 0 : i32
        %dma_start3A_361 = arith.constant 0 : i32
        %dma_start3A_362 = tpu.memref_slice %arg2[%dma_start3A_360, %dma_start3A_361] : memref<10000x16xf32, #tpu.memory_space<hbm>> -> memref<10000x16xf32, #tpu.memory_space<hbm>>
        tpu.enqueue_indirect_dma source(%dma_start3A_362 : memref<10000x16xf32, #tpu.memory_space<hbm>>) target(%dma_start3A_356 : memref<80x16xf32, #tpu.memory_space<vmem>>) offsets(%dma_start3A_359 : memref<80xi32, #tpu.memory_space<vmem>>) semaphore(%arg12 : memref<!tpu.dma_semaphore, #tpu.memory_space<semaphore_mem>>)
      } else {
      }
      %dma_wait3A_252 = arith.constant 2 : i32
      %dma_wait3A_253 = arith.constant 0 : i32
      %dma_wait3A_254 = arith.constant 0 : i32
      %dma_wait3A_255 = tpu.memref_slice %arg9[%dma_wait3A_252, %dma_wait3A_253, %dma_wait3A_254] : memref<5x80x16xf32, #tpu.memory_space<vmem>> -> memref<1x80x16xf32, #tpu.memory_space<vmem>>
      %dma_wait3A_256 = tpu.memref_squeeze %dma_wait3A_255 : memref<1x80x16xf32, #tpu.memory_space<vmem>> -> memref<80x16xf32, #tpu.memory_space<vmem>>
      %dma_wait3A_257 = arith.constant 0 : i32
      %dma_wait3A_258 = tpu.memref_slice %arg7[%add3A_246, %dma_wait3A_257] : memref<125x80xi32, #tpu.memory_space<vmem>> -> memref<1x80xi32, #tpu.memory_space<vmem>>
      %dma_wait3A_259 = tpu.memref_squeeze %dma_wait3A_258 : memref<1x80xi32, #tpu.memory_space<vmem>> -> memref<80xi32, #tpu.memory_space<vmem>>
      %dma_wait3A_260 = arith.constant 0 : i32
      %dma_wait3A_261 = arith.constant 0 : i32
      %dma_wait3A_262 = tpu.memref_slice %arg2[%dma_wait3A_260, %dma_wait3A_261] : memref<10000x16xf32, #tpu.memory_space<hbm>> -> memref<10000x16xf32, #tpu.memory_space<hbm>>
      tpu.wait_indirect_dma semaphore(%arg13 : memref<!tpu.dma_semaphore, #tpu.memory_space<semaphore_mem>>) src(%dma_wait3A_262 : memref<10000x16xf32, #tpu.memory_space<hbm>>) dst(%dma_wait3A_256 : memref<80x16xf32, #tpu.memory_space<vmem>>)
      %dma_start3A_263 = arith.constant 2 : i32
      %dma_start3A_264 = arith.constant 0 : i32
      %dma_start3A_265 = arith.constant 0 : i32
      %dma_start3A_266 = tpu.memref_slice %arg9[%dma_start3A_263, %dma_start3A_264, %dma_start3A_265] : memref<5x80x16xf32, #tpu.memory_space<vmem>> -> memref<1x80x16xf32, #tpu.memory_space<vmem>>
      %dma_start3A_267 = tpu.memref_squeeze %dma_start3A_266 : memref<1x80x16xf32, #tpu.memory_space<vmem>> -> memref<80x16xf32, #tpu.memory_space<vmem>>
      %dma_start3A_268 = arith.constant 0 : i32
      %dma_start3A_269 = tpu.memref_slice %arg8[%add3A_246, %dma_start3A_268] : memref<125x80xi32, #tpu.memory_space<vmem>> -> memref<1x80xi32, #tpu.memory_space<vmem>>
      %dma_start3A_270 = tpu.memref_squeeze %dma_start3A_269 : memref<1x80xi32, #tpu.memory_space<vmem>> -> memref<80xi32, #tpu.memory_space<vmem>>
      %dma_start3A_271 = arith.constant 0 : i32
      %dma_start3A_272 = arith.constant 0 : i32
      %dma_start3A_273 = tpu.memref_slice %arg10[%dma_start3A_271, %dma_start3A_272] : memref<10112x16xf32, #tpu.memory_space<vmem_shared>> -> memref<10112x16xf32, #tpu.memory_space<vmem_shared>>
      tpu.enqueue_indirect_dma source(%dma_start3A_267 : memref<80x16xf32, #tpu.memory_space<vmem>>) target(%dma_start3A_273 : memref<10112x16xf32, #tpu.memory_space<vmem_shared>>) offsets(%dma_start3A_270 : memref<80xi32, #tpu.memory_space<vmem>>) semaphore(%arg18 : memref<!tpu.dma_semaphore, #tpu.memory_space<semaphore_mem>>) {add = true}
      %mul3A_274 = arith.constant 5 : i32
      %mul3A_275 = arith.muli %scan3A_165, %mul3A_274 : i32
      %add3A_276 = arith.constant 3 : i32
      %add3A_277 = arith.addi %mul3A_275, %add3A_276 : i32
      %add3A_278 = arith.constant 4 : i32
      %add3A_279 = arith.addi %add3A_277, %add3A_278 : i32
      %mul3A_280 = arith.constant 5 : i32
      %mul3A_281 = arith.muli %scan3A_165, %mul3A_280 : i32
      %add3A_282 = arith.constant 3 : i32
      %add3A_283 = arith.addi %mul3A_281, %add3A_282 : i32
      %lt3A_284 = arith.constant 125 : i32
      %lt3A_285 = arith.cmpi slt, %add3A_279, %lt3A_284 : i32
      %convert_element_type3A_286 = arith.extui %lt3A_285 : i1 to i32
      %cond3A_287 = arith.constant 0 : i32
      %cond3A_288 = arith.cmpi ne, %convert_element_type3A_286, %cond3A_287 : i32
      scf.if %cond3A_288 {
        %ge3A = arith.constant 5 : i32
        %ge3A_348 = arith.cmpi sge, %add3A_279, %ge3A : i32
        %convert_element_type3A_349 = arith.extui %ge3A_348 : i1 to i32
        %cond3A_350 = arith.constant 0 : i32
        %cond3A_351 = arith.cmpi ne, %convert_element_type3A_349, %cond3A_350 : i32
        scf.if %cond3A_351 {
          %sub3A = arith.constant 5 : i32
          %sub3A_363 = arith.subi %add3A_279, %sub3A : i32
          %dma_wait3A_364 = arith.constant 2 : i32
          %dma_wait3A_365 = arith.constant 0 : i32
          %dma_wait3A_366 = arith.constant 0 : i32
          %dma_wait3A_367 = tpu.memref_slice %arg9[%dma_wait3A_364, %dma_wait3A_365, %dma_wait3A_366] : memref<5x80x16xf32, #tpu.memory_space<vmem>> -> memref<1x80x16xf32, #tpu.memory_space<vmem>>
          %dma_wait3A_368 = tpu.memref_squeeze %dma_wait3A_367 : memref<1x80x16xf32, #tpu.memory_space<vmem>> -> memref<80x16xf32, #tpu.memory_space<vmem>>
          %dma_wait3A_369 = arith.constant 0 : i32
          %dma_wait3A_370 = tpu.memref_slice %arg8[%sub3A_363, %dma_wait3A_369] : memref<125x80xi32, #tpu.memory_space<vmem>> -> memref<1x80xi32, #tpu.memory_space<vmem>>
          %dma_wait3A_371 = tpu.memref_squeeze %dma_wait3A_370 : memref<1x80xi32, #tpu.memory_space<vmem>> -> memref<80xi32, #tpu.memory_space<vmem>>
          %dma_wait3A_372 = arith.constant 0 : i32
          %dma_wait3A_373 = arith.constant 0 : i32
          %dma_wait3A_374 = tpu.memref_slice %arg10[%dma_wait3A_372, %dma_wait3A_373] : memref<10112x16xf32, #tpu.memory_space<vmem_shared>> -> memref<10112x16xf32, #tpu.memory_space<vmem_shared>>
          tpu.wait_indirect_dma semaphore(%arg18 : memref<!tpu.dma_semaphore, #tpu.memory_space<semaphore_mem>>) src(%dma_wait3A_368 : memref<80x16xf32, #tpu.memory_space<vmem>>) dst(%dma_wait3A_374 : memref<10112x16xf32, #tpu.memory_space<vmem_shared>>)
        } else {
        }
        %dma_start3A_352 = arith.constant 2 : i32
        %dma_start3A_353 = arith.constant 0 : i32
        %dma_start3A_354 = arith.constant 0 : i32
        %dma_start3A_355 = tpu.memref_slice %arg9[%dma_start3A_352, %dma_start3A_353, %dma_start3A_354] : memref<5x80x16xf32, #tpu.memory_space<vmem>> -> memref<1x80x16xf32, #tpu.memory_space<vmem>>
        %dma_start3A_356 = tpu.memref_squeeze %dma_start3A_355 : memref<1x80x16xf32, #tpu.memory_space<vmem>> -> memref<80x16xf32, #tpu.memory_space<vmem>>
        %dma_start3A_357 = arith.constant 0 : i32
        %dma_start3A_358 = tpu.memref_slice %arg7[%add3A_279, %dma_start3A_357] : memref<125x80xi32, #tpu.memory_space<vmem>> -> memref<1x80xi32, #tpu.memory_space<vmem>>
        %dma_start3A_359 = tpu.memref_squeeze %dma_start3A_358 : memref<1x80xi32, #tpu.memory_space<vmem>> -> memref<80xi32, #tpu.memory_space<vmem>>
        %dma_start3A_360 = arith.constant 0 : i32
        %dma_start3A_361 = arith.constant 0 : i32
        %dma_start3A_362 = tpu.memref_slice %arg2[%dma_start3A_360, %dma_start3A_361] : memref<10000x16xf32, #tpu.memory_space<hbm>> -> memref<10000x16xf32, #tpu.memory_space<hbm>>
        tpu.enqueue_indirect_dma source(%dma_start3A_362 : memref<10000x16xf32, #tpu.memory_space<hbm>>) target(%dma_start3A_356 : memref<80x16xf32, #tpu.memory_space<vmem>>) offsets(%dma_start3A_359 : memref<80xi32, #tpu.memory_space<vmem>>) semaphore(%arg13 : memref<!tpu.dma_semaphore, #tpu.memory_space<semaphore_mem>>)
      } else {
      }
      %dma_wait3A_289 = arith.constant 3 : i32
      %dma_wait3A_290 = arith.constant 0 : i32
      %dma_wait3A_291 = arith.constant 0 : i32
      %dma_wait3A_292 = tpu.memref_slice %arg9[%dma_wait3A_289, %dma_wait3A_290, %dma_wait3A_291] : memref<5x80x16xf32, #tpu.memory_space<vmem>> -> memref<1x80x16xf32, #tpu.memory_space<vmem>>
      %dma_wait3A_293 = tpu.memref_squeeze %dma_wait3A_292 : memref<1x80x16xf32, #tpu.memory_space<vmem>> -> memref<80x16xf32, #tpu.memory_space<vmem>>
      %dma_wait3A_294 = arith.constant 0 : i32
      %dma_wait3A_295 = tpu.memref_slice %arg7[%add3A_283, %dma_wait3A_294] : memref<125x80xi32, #tpu.memory_space<vmem>> -> memref<1x80xi32, #tpu.memory_space<vmem>>
      %dma_wait3A_296 = tpu.memref_squeeze %dma_wait3A_295 : memref<1x80xi32, #tpu.memory_space<vmem>> -> memref<80xi32, #tpu.memory_space<vmem>>
      %dma_wait3A_297 = arith.constant 0 : i32
      %dma_wait3A_298 = arith.constant 0 : i32
      %dma_wait3A_299 = tpu.memref_slice %arg2[%dma_wait3A_297, %dma_wait3A_298] : memref<10000x16xf32, #tpu.memory_space<hbm>> -> memref<10000x16xf32, #tpu.memory_space<hbm>>
      tpu.wait_indirect_dma semaphore(%arg14 : memref<!tpu.dma_semaphore, #tpu.memory_space<semaphore_mem>>) src(%dma_wait3A_299 : memref<10000x16xf32, #tpu.memory_space<hbm>>) dst(%dma_wait3A_293 : memref<80x16xf32, #tpu.memory_space<vmem>>)
      %dma_start3A_300 = arith.constant 3 : i32
      %dma_start3A_301 = arith.constant 0 : i32
      %dma_start3A_302 = arith.constant 0 : i32
      %dma_start3A_303 = tpu.memref_slice %arg9[%dma_start3A_300, %dma_start3A_301, %dma_start3A_302] : memref<5x80x16xf32, #tpu.memory_space<vmem>> -> memref<1x80x16xf32, #tpu.memory_space<vmem>>
      %dma_start3A_304 = tpu.memref_squeeze %dma_start3A_303 : memref<1x80x16xf32, #tpu.memory_space<vmem>> -> memref<80x16xf32, #tpu.memory_space<vmem>>
      %dma_start3A_305 = arith.constant 0 : i32
      %dma_start3A_306 = tpu.memref_slice %arg8[%add3A_283, %dma_start3A_305] : memref<125x80xi32, #tpu.memory_space<vmem>> -> memref<1x80xi32, #tpu.memory_space<vmem>>
      %dma_start3A_307 = tpu.memref_squeeze %dma_start3A_306 : memref<1x80xi32, #tpu.memory_space<vmem>> -> memref<80xi32, #tpu.memory_space<vmem>>
      %dma_start3A_308 = arith.constant 0 : i32
      %dma_start3A_309 = arith.constant 0 : i32
      %dma_start3A_310 = tpu.memref_slice %arg10[%dma_start3A_308, %dma_start3A_309] : memref<10112x16xf32, #tpu.memory_space<vmem_shared>> -> memref<10112x16xf32, #tpu.memory_space<vmem_shared>>
      tpu.enqueue_indirect_dma source(%dma_start3A_304 : memref<80x16xf32, #tpu.memory_space<vmem>>) target(%dma_start3A_310 : memref<10112x16xf32, #tpu.memory_space<vmem_shared>>) offsets(%dma_start3A_307 : memref<80xi32, #tpu.memory_space<vmem>>) semaphore(%arg19 : memref<!tpu.dma_semaphore, #tpu.memory_space<semaphore_mem>>) {add = true}
      %mul3A_311 = arith.constant 5 : i32
      %mul3A_312 = arith.muli %scan3A_165, %mul3A_311 : i32
      %add3A_313 = arith.constant 4 : i32
      %add3A_314 = arith.addi %mul3A_312, %add3A_313 : i32
      %add3A_315 = arith.constant 4 : i32
      %add3A_316 = arith.addi %add3A_314, %add3A_315 : i32
      %mul3A_317 = arith.constant 5 : i32
      %mul3A_318 = arith.muli %scan3A_165, %mul3A_317 : i32
      %add3A_319 = arith.constant 4 : i32
      %add3A_320 = arith.addi %mul3A_318, %add3A_319 : i32
      %lt3A_321 = arith.constant 125 : i32
      %lt3A_322 = arith.cmpi slt, %add3A_316, %lt3A_321 : i32
      %convert_element_type3A_323 = arith.extui %lt3A_322 : i1 to i32
      %cond3A_324 = arith.constant 0 : i32
      %cond3A_325 = arith.cmpi ne, %convert_element_type3A_323, %cond3A_324 : i32
      scf.if %cond3A_325 {
        %ge3A = arith.constant 5 : i32
        %ge3A_348 = arith.cmpi sge, %add3A_316, %ge3A : i32
        %convert_element_type3A_349 = arith.extui %ge3A_348 : i1 to i32
        %cond3A_350 = arith.constant 0 : i32
        %cond3A_351 = arith.cmpi ne, %convert_element_type3A_349, %cond3A_350 : i32
        scf.if %cond3A_351 {
          %sub3A = arith.constant 5 : i32
          %sub3A_363 = arith.subi %add3A_316, %sub3A : i32
          %dma_wait3A_364 = arith.constant 3 : i32
          %dma_wait3A_365 = arith.constant 0 : i32
          %dma_wait3A_366 = arith.constant 0 : i32
          %dma_wait3A_367 = tpu.memref_slice %arg9[%dma_wait3A_364, %dma_wait3A_365, %dma_wait3A_366] : memref<5x80x16xf32, #tpu.memory_space<vmem>> -> memref<1x80x16xf32, #tpu.memory_space<vmem>>
          %dma_wait3A_368 = tpu.memref_squeeze %dma_wait3A_367 : memref<1x80x16xf32, #tpu.memory_space<vmem>> -> memref<80x16xf32, #tpu.memory_space<vmem>>
          %dma_wait3A_369 = arith.constant 0 : i32
          %dma_wait3A_370 = tpu.memref_slice %arg8[%sub3A_363, %dma_wait3A_369] : memref<125x80xi32, #tpu.memory_space<vmem>> -> memref<1x80xi32, #tpu.memory_space<vmem>>
          %dma_wait3A_371 = tpu.memref_squeeze %dma_wait3A_370 : memref<1x80xi32, #tpu.memory_space<vmem>> -> memref<80xi32, #tpu.memory_space<vmem>>
          %dma_wait3A_372 = arith.constant 0 : i32
          %dma_wait3A_373 = arith.constant 0 : i32
          %dma_wait3A_374 = tpu.memref_slice %arg10[%dma_wait3A_372, %dma_wait3A_373] : memref<10112x16xf32, #tpu.memory_space<vmem_shared>> -> memref<10112x16xf32, #tpu.memory_space<vmem_shared>>
          tpu.wait_indirect_dma semaphore(%arg19 : memref<!tpu.dma_semaphore, #tpu.memory_space<semaphore_mem>>) src(%dma_wait3A_368 : memref<80x16xf32, #tpu.memory_space<vmem>>) dst(%dma_wait3A_374 : memref<10112x16xf32, #tpu.memory_space<vmem_shared>>)
        } else {
        }
        %dma_start3A_352 = arith.constant 3 : i32
        %dma_start3A_353 = arith.constant 0 : i32
        %dma_start3A_354 = arith.constant 0 : i32
        %dma_start3A_355 = tpu.memref_slice %arg9[%dma_start3A_352, %dma_start3A_353, %dma_start3A_354] : memref<5x80x16xf32, #tpu.memory_space<vmem>> -> memref<1x80x16xf32, #tpu.memory_space<vmem>>
        %dma_start3A_356 = tpu.memref_squeeze %dma_start3A_355 : memref<1x80x16xf32, #tpu.memory_space<vmem>> -> memref<80x16xf32, #tpu.memory_space<vmem>>
        %dma_start3A_357 = arith.constant 0 : i32
        %dma_start3A_358 = tpu.memref_slice %arg7[%add3A_316, %dma_start3A_357] : memref<125x80xi32, #tpu.memory_space<vmem>> -> memref<1x80xi32, #tpu.memory_space<vmem>>
        %dma_start3A_359 = tpu.memref_squeeze %dma_start3A_358 : memref<1x80xi32, #tpu.memory_space<vmem>> -> memref<80xi32, #tpu.memory_space<vmem>>
        %dma_start3A_360 = arith.constant 0 : i32
        %dma_start3A_361 = arith.constant 0 : i32
        %dma_start3A_362 = tpu.memref_slice %arg2[%dma_start3A_360, %dma_start3A_361] : memref<10000x16xf32, #tpu.memory_space<hbm>> -> memref<10000x16xf32, #tpu.memory_space<hbm>>
        tpu.enqueue_indirect_dma source(%dma_start3A_362 : memref<10000x16xf32, #tpu.memory_space<hbm>>) target(%dma_start3A_356 : memref<80x16xf32, #tpu.memory_space<vmem>>) offsets(%dma_start3A_359 : memref<80xi32, #tpu.memory_space<vmem>>) semaphore(%arg14 : memref<!tpu.dma_semaphore, #tpu.memory_space<semaphore_mem>>)
      } else {
      }
      %dma_wait3A_326 = arith.constant 4 : i32
      %dma_wait3A_327 = arith.constant 0 : i32
      %dma_wait3A_328 = arith.constant 0 : i32
      %dma_wait3A_329 = tpu.memref_slice %arg9[%dma_wait3A_326, %dma_wait3A_327, %dma_wait3A_328] : memref<5x80x16xf32, #tpu.memory_space<vmem>> -> memref<1x80x16xf32, #tpu.memory_space<vmem>>
      %dma_wait3A_330 = tpu.memref_squeeze %dma_wait3A_329 : memref<1x80x16xf32, #tpu.memory_space<vmem>> -> memref<80x16xf32, #tpu.memory_space<vmem>>
      %dma_wait3A_331 = arith.constant 0 : i32
      %dma_wait3A_332 = tpu.memref_slice %arg7[%add3A_320, %dma_wait3A_331] : memref<125x80xi32, #tpu.memory_space<vmem>> -> memref<1x80xi32, #tpu.memory_space<vmem>>
      %dma_wait3A_333 = tpu.memref_squeeze %dma_wait3A_332 : memref<1x80xi32, #tpu.memory_space<vmem>> -> memref<80xi32, #tpu.memory_space<vmem>>
      %dma_wait3A_334 = arith.constant 0 : i32
      %dma_wait3A_335 = arith.constant 0 : i32
      %dma_wait3A_336 = tpu.memref_slice %arg2[%dma_wait3A_334, %dma_wait3A_335] : memref<10000x16xf32, #tpu.memory_space<hbm>> -> memref<10000x16xf32, #tpu.memory_space<hbm>>
      tpu.wait_indirect_dma semaphore(%arg15 : memref<!tpu.dma_semaphore, #tpu.memory_space<semaphore_mem>>) src(%dma_wait3A_336 : memref<10000x16xf32, #tpu.memory_space<hbm>>) dst(%dma_wait3A_330 : memref<80x16xf32, #tpu.memory_space<vmem>>)
      %dma_start3A_337 = arith.constant 4 : i32
      %dma_start3A_338 = arith.constant 0 : i32
      %dma_start3A_339 = arith.constant 0 : i32
      %dma_start3A_340 = tpu.memref_slice %arg9[%dma_start3A_337, %dma_start3A_338, %dma_start3A_339] : memref<5x80x16xf32, #tpu.memory_space<vmem>> -> memref<1x80x16xf32, #tpu.memory_space<vmem>>
      %dma_start3A_341 = tpu.memref_squeeze %dma_start3A_340 : memref<1x80x16xf32, #tpu.memory_space<vmem>> -> memref<80x16xf32, #tpu.memory_space<vmem>>
      %dma_start3A_342 = arith.constant 0 : i32
      %dma_start3A_343 = tpu.memref_slice %arg8[%add3A_320, %dma_start3A_342] : memref<125x80xi32, #tpu.memory_space<vmem>> -> memref<1x80xi32, #tpu.memory_space<vmem>>
      %dma_start3A_344 = tpu.memref_squeeze %dma_start3A_343 : memref<1x80xi32, #tpu.memory_space<vmem>> -> memref<80xi32, #tpu.memory_space<vmem>>
      %dma_start3A_345 = arith.constant 0 : i32
      %dma_start3A_346 = arith.constant 0 : i32
      %dma_start3A_347 = tpu.memref_slice %arg10[%dma_start3A_345, %dma_start3A_346] : memref<10112x16xf32, #tpu.memory_space<vmem_shared>> -> memref<10112x16xf32, #tpu.memory_space<vmem_shared>>
      tpu.enqueue_indirect_dma source(%dma_start3A_341 : memref<80x16xf32, #tpu.memory_space<vmem>>) target(%dma_start3A_347 : memref<10112x16xf32, #tpu.memory_space<vmem_shared>>) offsets(%dma_start3A_344 : memref<80xi32, #tpu.memory_space<vmem>>) semaphore(%arg20 : memref<!tpu.dma_semaphore, #tpu.memory_space<semaphore_mem>>) {add = true}
    }
    %scan3A_99 = arith.constant 25 : i32
    %dma_wait3A_100 = arith.constant 0 : i32
    %dma_wait3A_101 = arith.constant 120 : i32
    %dma_wait3A_102 = arith.constant 0 : i32
    %dma_wait3A_103 = arith.constant 0 : i32
    %dma_wait3A_104 = tpu.memref_slice %arg9[%dma_wait3A_100, %dma_wait3A_102, %dma_wait3A_103] : memref<5x80x16xf32, #tpu.memory_space<vmem>> -> memref<1x80x16xf32, #tpu.memory_space<vmem>>
    %dma_wait3A_105 = tpu.memref_squeeze %dma_wait3A_104 : memref<1x80x16xf32, #tpu.memory_space<vmem>> -> memref<80x16xf32, #tpu.memory_space<vmem>>
    %dma_wait3A_106 = arith.constant 0 : i32
    %dma_wait3A_107 = tpu.memref_slice %arg8[%dma_wait3A_101, %dma_wait3A_106] : memref<125x80xi32, #tpu.memory_space<vmem>> -> memref<1x80xi32, #tpu.memory_space<vmem>>
    %dma_wait3A_108 = tpu.memref_squeeze %dma_wait3A_107 : memref<1x80xi32, #tpu.memory_space<vmem>> -> memref<80xi32, #tpu.memory_space<vmem>>
    %dma_wait3A_109 = arith.constant 0 : i32
    %dma_wait3A_110 = arith.constant 0 : i32
    %dma_wait3A_111 = tpu.memref_slice %arg10[%dma_wait3A_109, %dma_wait3A_110] : memref<10112x16xf32, #tpu.memory_space<vmem_shared>> -> memref<10112x16xf32, #tpu.memory_space<vmem_shared>>
    tpu.wait_indirect_dma semaphore(%arg16 : memref<!tpu.dma_semaphore, #tpu.memory_space<semaphore_mem>>) src(%dma_wait3A_105 : memref<80x16xf32, #tpu.memory_space<vmem>>) dst(%dma_wait3A_111 : memref<10112x16xf32, #tpu.memory_space<vmem_shared>>)
    %dma_wait3A_112 = arith.constant 1 : i32
    %dma_wait3A_113 = arith.constant 121 : i32
    %dma_wait3A_114 = arith.constant 0 : i32
    %dma_wait3A_115 = arith.constant 0 : i32
    %dma_wait3A_116 = tpu.memref_slice %arg9[%dma_wait3A_112, %dma_wait3A_114, %dma_wait3A_115] : memref<5x80x16xf32, #tpu.memory_space<vmem>> -> memref<1x80x16xf32, #tpu.memory_space<vmem>>
    %dma_wait3A_117 = tpu.memref_squeeze %dma_wait3A_116 : memref<1x80x16xf32, #tpu.memory_space<vmem>> -> memref<80x16xf32, #tpu.memory_space<vmem>>
    %dma_wait3A_118 = arith.constant 0 : i32
    %dma_wait3A_119 = tpu.memref_slice %arg8[%dma_wait3A_113, %dma_wait3A_118] : memref<125x80xi32, #tpu.memory_space<vmem>> -> memref<1x80xi32, #tpu.memory_space<vmem>>
    %dma_wait3A_120 = tpu.memref_squeeze %dma_wait3A_119 : memref<1x80xi32, #tpu.memory_space<vmem>> -> memref<80xi32, #tpu.memory_space<vmem>>
    %dma_wait3A_121 = arith.constant 0 : i32
    %dma_wait3A_122 = arith.constant 0 : i32
    %dma_wait3A_123 = tpu.memref_slice %arg10[%dma_wait3A_121, %dma_wait3A_122] : memref<10112x16xf32, #tpu.memory_space<vmem_shared>> -> memref<10112x16xf32, #tpu.memory_space<vmem_shared>>
    tpu.wait_indirect_dma semaphore(%arg17 : memref<!tpu.dma_semaphore, #tpu.memory_space<semaphore_mem>>) src(%dma_wait3A_117 : memref<80x16xf32, #tpu.memory_space<vmem>>) dst(%dma_wait3A_123 : memref<10112x16xf32, #tpu.memory_space<vmem_shared>>)
    %dma_wait3A_124 = arith.constant 2 : i32
    %dma_wait3A_125 = arith.constant 122 : i32
    %dma_wait3A_126 = arith.constant 0 : i32
    %dma_wait3A_127 = arith.constant 0 : i32
    %dma_wait3A_128 = tpu.memref_slice %arg9[%dma_wait3A_124, %dma_wait3A_126, %dma_wait3A_127] : memref<5x80x16xf32, #tpu.memory_space<vmem>> -> memref<1x80x16xf32, #tpu.memory_space<vmem>>
    %dma_wait3A_129 = tpu.memref_squeeze %dma_wait3A_128 : memref<1x80x16xf32, #tpu.memory_space<vmem>> -> memref<80x16xf32, #tpu.memory_space<vmem>>
    %dma_wait3A_130 = arith.constant 0 : i32
    %dma_wait3A_131 = tpu.memref_slice %arg8[%dma_wait3A_125, %dma_wait3A_130] : memref<125x80xi32, #tpu.memory_space<vmem>> -> memref<1x80xi32, #tpu.memory_space<vmem>>
    %dma_wait3A_132 = tpu.memref_squeeze %dma_wait3A_131 : memref<1x80xi32, #tpu.memory_space<vmem>> -> memref<80xi32, #tpu.memory_space<vmem>>
    %dma_wait3A_133 = arith.constant 0 : i32
    %dma_wait3A_134 = arith.constant 0 : i32
    %dma_wait3A_135 = tpu.memref_slice %arg10[%dma_wait3A_133, %dma_wait3A_134] : memref<10112x16xf32, #tpu.memory_space<vmem_shared>> -> memref<10112x16xf32, #tpu.memory_space<vmem_shared>>
    tpu.wait_indirect_dma semaphore(%arg18 : memref<!tpu.dma_semaphore, #tpu.memory_space<semaphore_mem>>) src(%dma_wait3A_129 : memref<80x16xf32, #tpu.memory_space<vmem>>) dst(%dma_wait3A_135 : memref<10112x16xf32, #tpu.memory_space<vmem_shared>>)
    %dma_wait3A_136 = arith.constant 3 : i32
    %dma_wait3A_137 = arith.constant 123 : i32
    %dma_wait3A_138 = arith.constant 0 : i32
    %dma_wait3A_139 = arith.constant 0 : i32
    %dma_wait3A_140 = tpu.memref_slice %arg9[%dma_wait3A_136, %dma_wait3A_138, %dma_wait3A_139] : memref<5x80x16xf32, #tpu.memory_space<vmem>> -> memref<1x80x16xf32, #tpu.memory_space<vmem>>
    %dma_wait3A_141 = tpu.memref_squeeze %dma_wait3A_140 : memref<1x80x16xf32, #tpu.memory_space<vmem>> -> memref<80x16xf32, #tpu.memory_space<vmem>>
    %dma_wait3A_142 = arith.constant 0 : i32
    %dma_wait3A_143 = tpu.memref_slice %arg8[%dma_wait3A_137, %dma_wait3A_142] : memref<125x80xi32, #tpu.memory_space<vmem>> -> memref<1x80xi32, #tpu.memory_space<vmem>>
    %dma_wait3A_144 = tpu.memref_squeeze %dma_wait3A_143 : memref<1x80xi32, #tpu.memory_space<vmem>> -> memref<80xi32, #tpu.memory_space<vmem>>
    %dma_wait3A_145 = arith.constant 0 : i32
    %dma_wait3A_146 = arith.constant 0 : i32
    %dma_wait3A_147 = tpu.memref_slice %arg10[%dma_wait3A_145, %dma_wait3A_146] : memref<10112x16xf32, #tpu.memory_space<vmem_shared>> -> memref<10112x16xf32, #tpu.memory_space<vmem_shared>>
    tpu.wait_indirect_dma semaphore(%arg19 : memref<!tpu.dma_semaphore, #tpu.memory_space<semaphore_mem>>) src(%dma_wait3A_141 : memref<80x16xf32, #tpu.memory_space<vmem>>) dst(%dma_wait3A_147 : memref<10112x16xf32, #tpu.memory_space<vmem_shared>>)
    %dma_wait3A_148 = arith.constant 4 : i32
    %dma_wait3A_149 = arith.constant 124 : i32
    %dma_wait3A_150 = arith.constant 0 : i32
    %dma_wait3A_151 = arith.constant 0 : i32
    %dma_wait3A_152 = tpu.memref_slice %arg9[%dma_wait3A_148, %dma_wait3A_150, %dma_wait3A_151] : memref<5x80x16xf32, #tpu.memory_space<vmem>> -> memref<1x80x16xf32, #tpu.memory_space<vmem>>
    %dma_wait3A_153 = tpu.memref_squeeze %dma_wait3A_152 : memref<1x80x16xf32, #tpu.memory_space<vmem>> -> memref<80x16xf32, #tpu.memory_space<vmem>>
    %dma_wait3A_154 = arith.constant 0 : i32
    %dma_wait3A_155 = tpu.memref_slice %arg8[%dma_wait3A_149, %dma_wait3A_154] : memref<125x80xi32, #tpu.memory_space<vmem>> -> memref<1x80xi32, #tpu.memory_space<vmem>>
    %dma_wait3A_156 = tpu.memref_squeeze %dma_wait3A_155 : memref<1x80xi32, #tpu.memory_space<vmem>> -> memref<80xi32, #tpu.memory_space<vmem>>
    %dma_wait3A_157 = arith.constant 0 : i32
    %dma_wait3A_158 = arith.constant 0 : i32
    %dma_wait3A_159 = tpu.memref_slice %arg10[%dma_wait3A_157, %dma_wait3A_158] : memref<10112x16xf32, #tpu.memory_space<vmem_shared>> -> memref<10112x16xf32, #tpu.memory_space<vmem_shared>>
    tpu.wait_indirect_dma semaphore(%arg20 : memref<!tpu.dma_semaphore, #tpu.memory_space<semaphore_mem>>) src(%dma_wait3A_153 : memref<80x16xf32, #tpu.memory_space<vmem>>) dst(%dma_wait3A_159 : memref<10112x16xf32, #tpu.memory_space<vmem_shared>>)
    %barrier3A_160 = arith.constant 0 : index
    tpu.barrier barrier_id(%barrier3A_160)
    %mul3A_161 = arith.constant 632 : i32
    %mul3A_162 = arith.muli %arg1, %mul3A_161 : i32
    %mul3A_163 = arith.constant 632 : i32
    %mul3A_164 = arith.muli %arg1, %mul3A_163 : i32
    "tpu.region"() ({
      %run_scoped3A = tpu.sem_alloc : memref<!tpu.dma_semaphore, #tpu.memory_space<semaphore_mem>>
      %dma_start3A_165 = arith.constant 0 : i32
      %dma_start3A_166 = tpu.memref_slice %arg6[%arg0, %mul3A_164, %dma_start3A_165] : memref<2x10112x16xf32, #tpu.memory_space<hbm>> -> memref<1x632x16xf32, #tpu.memory_space<hbm>>
      %dma_start3A_167 = tpu.memref_squeeze %dma_start3A_166 : memref<1x632x16xf32, #tpu.memory_space<hbm>> -> memref<632x16xf32, #tpu.memory_space<hbm>>
      %dma_start3A_168 = arith.constant 0 : i32
      %dma_start3A_169 = tpu.memref_slice %arg10[%mul3A_162, %dma_start3A_168] : memref<10112x16xf32, #tpu.memory_space<vmem_shared>> -> memref<632x16xf32, #tpu.memory_space<vmem_shared>>
      tpu.enqueue_dma source(%dma_start3A_169 : memref<632x16xf32, #tpu.memory_space<vmem_shared>>) target(%dma_start3A_167 : memref<632x16xf32, #tpu.memory_space<hbm>>) target_semaphore(%run_scoped3A : memref<!tpu.dma_semaphore, #tpu.memory_space<semaphore_mem>>)
      %dma_wait3A_170 = arith.constant 0 : i32
      %dma_wait3A_171 = tpu.memref_slice %arg6[%arg0, %mul3A_164, %dma_wait3A_170] : memref<2x10112x16xf32, #tpu.memory_space<hbm>> -> memref<1x632x16xf32, #tpu.memory_space<hbm>>
      %dma_wait3A_172 = tpu.memref_squeeze %dma_wait3A_171 : memref<1x632x16xf32, #tpu.memory_space<hbm>> -> memref<632x16xf32, #tpu.memory_space<hbm>>
      %dma_wait3A_173 = arith.constant 0 : i32
      %dma_wait3A_174 = tpu.memref_slice %arg10[%mul3A_162, %dma_wait3A_173] : memref<10112x16xf32, #tpu.memory_space<vmem_shared>> -> memref<632x16xf32, #tpu.memory_space<vmem_shared>>
      tpu.wait_dma2 semaphore(%run_scoped3A : memref<!tpu.dma_semaphore, #tpu.memory_space<semaphore_mem>>) src(%dma_wait3A_174 : memref<632x16xf32, #tpu.memory_space<vmem_shared>>) dst(%dma_wait3A_172 : memref<632x16xf32, #tpu.memory_space<hbm>>)
      tpu.yield
    }) : () -> ()
    return
  }
}

module attributes {stable_mosaic.version = 14 : i64} {
  func.func @body(%arg0: i32, %arg1: memref<10000x128xf32, #tpu.memory_space<vmem>>, %arg2: memref<128x16xf32, #tpu.memory_space<vmem>>, %arg3: memref<10000x16xf32, #tpu.memory_space<vmem>>) attributes {dimension_semantics = [#tpu.dimension_semantics<arbitrary>], iteration_bounds = array<i64: 1>, scalar_prefetch = 0 : i64, scratch_operands = 0 : i64, tpu.core_type = #tpu.core_type<tc>, window_params = [{transform_indices = @transform_0, window_bounds = array<i64: 10000, 128>}, {pipeline_mode = #tpu.pipeline_mode<synchronous>, transform_indices = @transform_1, window_bounds = array<i64: 128, 16>}, {transform_indices = @transform_2, window_bounds = array<i64: 10000, 16>}]} {
    %get3A = arith.constant 0 : index
    %get3A_0 = arith.constant 0 : index
    %get3A_1 = vector.load %arg1[%get3A, %get3A_0] : memref<10000x128xf32, #tpu.memory_space<vmem>>, vector<10000x128xf32>
    %get3A_2 = arith.constant 0 : index
    %get3A_3 = arith.constant 0 : index
    %get3A_4 = vector.load %arg2[%get3A_2, %get3A_3] : memref<128x16xf32, #tpu.memory_space<vmem>>, vector<128x16xf32>
    %dot_general3A = arith.constant dense<0.000000e+00> : vector<10000x16xf32>
    %dot_general3A_5 = tpu.matmul %get3A_1, %get3A_4, %dot_general3A {dimension_numbers = #tpu.dot_dimension_numbers<[1], [0], [0], [1], [0, 0, 1, 1], [], []>, transpose_lhs_hint = false} : vector<10000x128xf32>, vector<128x16xf32>, vector<10000x16xf32> -> vector<10000x16xf32>
    %swap3A = arith.constant 0 : index
    %swap3A_6 = arith.constant 0 : index
    %swap3A_7 = vector.load %arg3[%swap3A, %swap3A_6] : memref<10000x16xf32, #tpu.memory_space<vmem>>, vector<10000x16xf32>
    tpu.vector_store %arg3[%swap3A, %swap3A_6], %dot_general3A_5 {strides = array<i32>} : memref<10000x16xf32, #tpu.memory_space<vmem>>, vector<10000x16xf32>,
    return
  }
  func.func @transform_0(%arg0: i32) -> (i32, i32) {
    %c0_i32 = arith.constant 0 : i32
    %c0_i32_0 = arith.constant 0 : i32
    return %arg0, %c0_i32 : i32, i32
  }
  func.func @transform_1(%arg0: i32) -> (i32, i32) {
    %c0_i32 = arith.constant 0 : i32
    %c0_i32_0 = arith.constant 0 : i32
    %c0_i32_1 = arith.constant 0 : i32
    return %c0_i32, %c0_i32_0 : i32, i32
  }
  func.func @transform_2(%arg0: i32) -> (i32, i32) {
    %c0_i32 = arith.constant 0 : i32
    %c0_i32_0 = arith.constant 0 : i32
    return %arg0, %c0_i32 : i32, i32
  }
}

module attributes {stable_mosaic.version = 14 : i64} {
  func.func @body(%arg0: i32, %arg1: memref<2x10000x16xf32, #tpu.memory_space<vmem>>, %arg2: memref<10000x16xf32, #tpu.memory_space<vmem>>) attributes {dimension_semantics = [#tpu.dimension_semantics<arbitrary>], iteration_bounds = array<i64: 1>, scalar_prefetch = 0 : i64, scratch_operands = 0 : i64, tpu.core_type = #tpu.core_type<tc>, window_params = [{transform_indices = @transform_0, window_bounds = array<i64: 2, 10000, 16>}, {transform_indices = @transform_1, window_bounds = array<i64: 10000, 16>}]} {
    %get3A = arith.constant 0 : index
    %get3A_0 = arith.constant 0 : index
    %get3A_1 = arith.constant 0 : index
    %get3A_2 = vector.load %arg1[%get3A, %get3A_0, %get3A_1] : memref<2x10000x16xf32, #tpu.memory_space<vmem>>, vector<1x10000x16xf32>
    %get3A_3 = vector.shape_cast %get3A_2 : vector<1x10000x16xf32> to vector<10000x16xf32>
    %get3A_4 = arith.constant 1 : index
    %get3A_5 = arith.constant 0 : index
    %get3A_6 = arith.constant 0 : index
    %get3A_7 = vector.load %arg1[%get3A_4, %get3A_5, %get3A_6] : memref<2x10000x16xf32, #tpu.memory_space<vmem>>, vector<1x10000x16xf32>
    %get3A_8 = vector.shape_cast %get3A_7 : vector<1x10000x16xf32> to vector<10000x16xf32>
    %add3A = arith.addf %get3A_3, %get3A_8 : vector<10000x16xf32>
    %max3A = arith.constant 0.000000e+00 : f32
    %max3A_9 = vector.broadcast %max3A : f32 to vector<10000x16xf32>
    %max3A_10 = arith.maximumf %add3A, %max3A_9 : vector<10000x16xf32>
    %swap3A = arith.constant 0 : index
    %swap3A_11 = arith.constant 0 : index
    %swap3A_12 = vector.load %arg2[%swap3A, %swap3A_11] : memref<10000x16xf32, #tpu.memory_space<vmem>>, vector<10000x16xf32>
    tpu.vector_store %arg2[%swap3A, %swap3A_11], %max3A_10 {strides = array<i32>} : memref<10000x16xf32, #tpu.memory_space<vmem>>, vector<10000x16xf32>,
    return
  }
  func.func @transform_0(%arg0: i32) -> (i32, i32, i32) {
    %c0_i32 = arith.constant 0 : i32
    %c0_i32_0 = arith.constant 0 : i32
    %c0_i32_1 = arith.constant 0 : i32
    return %c0_i32, %arg0, %c0_i32_0 : i32, i32, i32
  }
  func.func @transform_1(%arg0: i32) -> (i32, i32) {
    %c0_i32 = arith.constant 0 : i32
    %c0_i32_0 = arith.constant 0 : i32
    return %arg0, %c0_i32 : i32, i32
  }
}

module attributes {stable_mosaic.version = 14 : i64} {
  func.func @body(%arg0: i32, %arg1: memref<2x10000x16xf32, #tpu.memory_space<vmem>>, %arg2: memref<16x7xf32, #tpu.memory_space<vmem>>, %arg3: memref<16x7xf32, #tpu.memory_space<vmem>>, %arg4: memref<10000x7xf32, #tpu.memory_space<vmem>>, %arg5: memref<10000x7xf32, #tpu.memory_space<vmem>>) attributes {dimension_semantics = [#tpu.dimension_semantics<arbitrary>], iteration_bounds = array<i64: 1>, scalar_prefetch = 0 : i64, scratch_operands = 0 : i64, tpu.core_type = #tpu.core_type<tc>, window_params = [{transform_indices = @transform_0, window_bounds = array<i64: 2, 10000, 16>}, {pipeline_mode = #tpu.pipeline_mode<synchronous>, transform_indices = @transform_1, window_bounds = array<i64: 16, 7>}, {pipeline_mode = #tpu.pipeline_mode<synchronous>, transform_indices = @transform_2, window_bounds = array<i64: 16, 7>}, {transform_indices = @transform_3, window_bounds = array<i64: 10000, 7>}, {transform_indices = @transform_4, window_bounds = array<i64: 10000, 7>}]} {
    %get3A = arith.constant 0 : index
    %get3A_0 = arith.constant 0 : index
    %get3A_1 = arith.constant 0 : index
    %get3A_2 = vector.load %arg1[%get3A, %get3A_0, %get3A_1] : memref<2x10000x16xf32, #tpu.memory_space<vmem>>, vector<1x10000x16xf32>
    %get3A_3 = vector.shape_cast %get3A_2 : vector<1x10000x16xf32> to vector<10000x16xf32>
    %get3A_4 = arith.constant 1 : index
    %get3A_5 = arith.constant 0 : index
    %get3A_6 = arith.constant 0 : index
    %get3A_7 = vector.load %arg1[%get3A_4, %get3A_5, %get3A_6] : memref<2x10000x16xf32, #tpu.memory_space<vmem>>, vector<1x10000x16xf32>
    %get3A_8 = vector.shape_cast %get3A_7 : vector<1x10000x16xf32> to vector<10000x16xf32>
    %add3A = arith.addf %get3A_3, %get3A_8 : vector<10000x16xf32>
    %get3A_9 = arith.constant 0 : index
    %get3A_10 = arith.constant 0 : index
    %get3A_11 = vector.load %arg2[%get3A_9, %get3A_10] : memref<16x7xf32, #tpu.memory_space<vmem>>, vector<16x7xf32>
    %dot_general3A = arith.constant dense<0.000000e+00> : vector<10000x7xf32>
    %dot_general3A_12 = tpu.matmul %add3A, %get3A_11, %dot_general3A {dimension_numbers = #tpu.dot_dimension_numbers<[1], [0], [0], [1], [0, 0, 1, 1], [], []>, transpose_lhs_hint = false} : vector<10000x16xf32>, vector<16x7xf32>, vector<10000x7xf32> -> vector<10000x7xf32>
    %swap3A = arith.constant 0 : index
    %swap3A_13 = arith.constant 0 : index
    %swap3A_14 = vector.load %arg4[%swap3A, %swap3A_13] : memref<10000x7xf32, #tpu.memory_space<vmem>>, vector<10000x7xf32>
    tpu.vector_store %arg4[%swap3A, %swap3A_13], %dot_general3A_12 {strides = array<i32>} : memref<10000x7xf32, #tpu.memory_space<vmem>>, vector<10000x7xf32>,
    %get3A_15 = arith.constant 0 : index
    %get3A_16 = arith.constant 0 : index
    %get3A_17 = vector.load %arg3[%get3A_15, %get3A_16] : memref<16x7xf32, #tpu.memory_space<vmem>>, vector<16x7xf32>
    %dot_general3A_18 = arith.constant dense<0.000000e+00> : vector<10000x7xf32>
    %dot_general3A_19 = tpu.matmul %add3A, %get3A_17, %dot_general3A_18 {dimension_numbers = #tpu.dot_dimension_numbers<[1], [0], [0], [1], [0, 0, 1, 1], [], []>, transpose_lhs_hint = false} : vector<10000x16xf32>, vector<16x7xf32>, vector<10000x7xf32> -> vector<10000x7xf32>
    %swap3A_20 = arith.constant 0 : index
    %swap3A_21 = arith.constant 0 : index
    %swap3A_22 = vector.load %arg5[%swap3A_20, %swap3A_21] : memref<10000x7xf32, #tpu.memory_space<vmem>>, vector<10000x7xf32>
    tpu.vector_store %arg5[%swap3A_20, %swap3A_21], %dot_general3A_19 {strides = array<i32>} : memref<10000x7xf32, #tpu.memory_space<vmem>>, vector<10000x7xf32>,
    return
  }
  func.func @transform_0(%arg0: i32) -> (i32, i32, i32) {
    %c0_i32 = arith.constant 0 : i32
    %c0_i32_0 = arith.constant 0 : i32
    %c0_i32_1 = arith.constant 0 : i32
    return %c0_i32, %arg0, %c0_i32_0 : i32, i32, i32
  }
  func.func @transform_1(%arg0: i32) -> (i32, i32) {
    %c0_i32 = arith.constant 0 : i32
    %c0_i32_0 = arith.constant 0 : i32
    %c0_i32_1 = arith.constant 0 : i32
    return %c0_i32, %c0_i32_0 : i32, i32
  }
  func.func @transform_2(%arg0: i32) -> (i32, i32) {
    %c0_i32 = arith.constant 0 : i32
    %c0_i32_0 = arith.constant 0 : i32
    %c0_i32_1 = arith.constant 0 : i32
    return %c0_i32, %c0_i32_0 : i32, i32
  }
  func.func @transform_3(%arg0: i32) -> (i32, i32) {
    %c0_i32 = arith.constant 0 : i32
    %c0_i32_0 = arith.constant 0 : i32
    return %arg0, %c0_i32 : i32, i32
  }
  func.func @transform_4(%arg0: i32) -> (i32, i32) {
    %c0_i32 = arith.constant 0 : i32
    %c0_i32_0 = arith.constant 0 : i32
    return %arg0, %c0_i32 : i32, i32
  }
}

</mosaic_0001>

<sc_bundles>
// kernel: kernel.10.cloned.1.call-start
scs
__scs_entry_jumppad:
0x0: {  	(pc) =	sbr.rel $0x88, $3  }
0x1: {  	(tag) =	ssettag $0x0;
	lr =	simm.s32 $0x1  }
0x2: {  	[smem:$0x3F9C] =	sst lr;
	_ =	strace $0xD0000000  }
0x3: {  	_ = 	snop  }
0x4: {  	_ = 	snop  }
0x5: {  	_ = 	snop  }
0x6: {  	_ = 	snop  }
0x7: {  	_ = 	snop  }
__scs_overlays_trampoline_lowered:
0x8: {  	[smem:$0x3FAB] =	sst s0  }
0x9: {  	[smem:$0x3FAC] =	sst s1  }
0xa: {  	[smem:$0x3FAD] =	sst s2  }
0xb: {  	[smem:$0x3FAE] =	sst s3  }
0xc: {  	[smem:$0x3FAF] =	sst s4  }
0xd: {  	[smem:$0x3FB0] =	sst s5  }
0xe: {  	[smem:$0x3FB1] =	sst s6  }
0xf: {  	[smem:$0x3FB2] =	sst s7  }
0x10: {  	[smem:$0x3FB3] =	sst s8  }
0x11: {  	[smem:$0x3FB4] =	sst s9;
	s0 =	simm.s32 @!p0 $0x0  }
0x12: {  	s1 =	sld [smem:$0x3F9A];
	s0 =	simm.s32 @p0 $0x1  }
0x13: {  	[smem:$0x3FB5] =	sst s0;
	s0 =	simm.s32 @!p1 $0x0  }
0x14: {  	s2 =	sld [smem:$0x3F99];
	s0 =	simm.s32 @p1 $0x1  }
0x15: {  	[smem:$0x3FB6] =	sst s0;
	s0 =	simm.s32 @!p2 $0x0  }
0x16: {  	s3 =	sld [smem:$0x3FDB];
	s0 =	simm.s32 @p2 $0x1  }
0x17: {  	s4 =	simm.s32 $0x1BF5;
	[smem:$0x3FB8] =	sst s0  }
0x18: {  	s0 =	sld [smem:$0x3F9B];
	_ =	swait.ge [sflag:s4], $0x0  }
0x19: {  	s7 =	sld [smem:$0x3F9C]  }
0x1a: {  	s8 =	sadd.s32 $0xFFFFE003, lr  }
0x1b: {  	s9 =	sadd.s32 $0xFFFFFEF7, lr;
	s5 =	simm.s32 $0xFFFFFFFF;
	p2 =	slt.u32 s8, $0xFFFFF086  }
0x1c: {  	p1 =	slt.u32 s9, $0xF7A;
	s5 =	simm.s32 @!p2 $0x0  }
0x1d: {  	s5 =	simm.s32 @p1 $0x1;
	p0 =	seq.s32 s7, s2  }
0x1e: {  	s7 =	smul.u32 @!p0 $0xF7A, s2;
	p2 =	seq.s32 @!p0 s5, $0x0  }
0x1f: {  	s9 =	smul.u32 $0xF7A, s1;
	s8 =	simm.s32 @!p0 $0x1BF5;
	p2 =	por !p2, p0  }
0x20: {  	[sflag:s8] =	ssyncset.s32 @!p0 $0xFFFFF086;
	s6 =	sadd.s32 @!p0 s3, s7;
	s7 =	simm.s32 @!p0 $0x108  }
0x21: {  	s3 =	sadd.s32 s3, s9;
	s6 =	sadd.s32 @!p0 $0x88, s6;
	s7 =	simm.s32 @p2 $0x1082  }
0x22: {  	[simem:s7], [sflag:s8] =	dma.local @!p0 [hbm:s6], $0xF7A  }
0x23: {  	s9 =	sor.u32 $0xD0000000, s2;
	s6 =	simm.s32 $0x108;
	_ =	swait.ge @!p0 [sflag:s8], $0x0  }
0x24: {  	s3 =	sadd.s32 $0x88, s3;
	s6 =	simm.s32 @!p1 $0x1082;
	[sflag:s4] =	ssyncset.s32 $0xFFFFF086  }
0x25: {  	[simem:s6], [sflag:s4] =	dma.local [hbm:s3], $0xF7A  }
0x26: {  	[smem:$0x3F9C] =	sst s1;
	(tag) =	ssettag s2;
	_ =	strace s9  }
0x27: {  	s1 =	sld [smem:$0x3FAC]  }
0x28: {  	s2 =	sld [smem:$0x3FAD]  }
0x29: {  	s4 =	sld [smem:$0x3FAF]  }
0x2a: {  	p0 =	seq.s32 s5, $0x0;
	s5 =	sld [smem:$0x3FB0]  }
0x2b: {  	s6 =	sld [smem:$0x3FB1]  }
0x2c: {  	s7 =	sld [smem:$0x3FB2]  }
0x2d: {  	s3 =	simm.s32 $0x108;
	s8 =	sld [smem:$0x3FB3]  }
0x2e: {  	s3 =	simm.s32 @!p0 $0x1082;
	s9 =	sld [smem:$0x3FB4]  }
0x2f: {  	lr =	sadd.s32 s0, s3;
	s0 =	sld [smem:$0x3FAB]  }
0x30: {  	s3 =	sld [smem:$0x3FAE]  }
0x31: {  	[smem:$0x3FB7] =	sst s10  }
0x32: {  	s10 =	sld [smem:$0x3FB5];
	_ =	sdelay $0x3  }
0x33: {  	p0 =	seq.s32 s10, $0x1;
	s10 =	sld [smem:$0x3FB7];
	_ =	sdelay $0x3  }
0x34: {  	[smem:$0x3FB7] =	sst s10  }
0x35: {  	s10 =	sld [smem:$0x3FB6];
	_ =	sdelay $0x3  }
0x36: {  	p1 =	seq.s32 s10, $0x1;
	s10 =	sld [smem:$0x3FB7];
	_ =	sdelay $0x3  }
0x37: {  	[smem:$0x3FB7] =	sst s10  }
0x38: {  	s10 =	sld [smem:$0x3FB8]  }
0x39: {  	_ = 	snop;
	(pc) =	sbr.ind lr, $3  }
0x3a: {  	_ = 	snop  }
0x3b: {  	_ = 	snop  }
0x3c: {  	p2 =	seq.s32 s10, $0x1;
	s10 =	sld [smem:$0x3FB7]  }
0x3d: {  	_ =	shalt  }
0x3e: {  	_ =	shalt  }
0x3f: {  	_ =	shalt  }
0x40: {  	_ =	shalt  }
0x41: {  	_ =	shalt  }
0x42: {  	_ =	shalt  }
0x43: {  	_ =	shalt  }
0x44: {  	_ =	shalt  }
0x45: {  	_ =	shalt  }
0x46: {  	_ =	shalt  }
0x47: {  	_ =	shalt  }
0x48: {  	_ =	shalt  }
0x49: {  	_ =	shalt  }
0x4a: {  	_ =	shalt  }
0x4b: {  	_ =	shalt  }
0x4c: {  	_ =	shalt  }
0x4d: {  	_ =	shalt  }
0x4e: {  	_ =	shalt  }
0x4f: {  	_ =	shalt  }
0x50: {  	_ =	shalt  }
0x51: {  	_ =	shalt  }
0x52: {  	_ =	shalt  }
0x53: {  	_ =	shalt  }
0x54: {  	_ =	shalt  }
0x55: {  	_ =	shalt  }
0x56: {  	_ =	shalt  }
0x57: {  	_ =	shalt  }
0x58: {  	_ =	shalt  }
0x59: {  	_ =	shalt  }
0x5a: {  	_ =	shalt  }
0x5b: {  	_ =	shalt  }
0x5c: {  	_ =	shalt  }
0x5d: {  	_ =	shalt  }
0x5e: {  	_ =	shalt  }
0x5f: {  	_ =	shalt  }
0x60: {  	_ =	shalt  }
0x61: {  	_ =	shalt  }
0x62: {  	_ =	shalt  }
0x63: {  	_ =	shalt  }
0x64: {  	_ =	shalt  }
0x65: {  	_ =	shalt  }
0x66: {  	_ =	shalt  }
0x67: {  	_ =	shalt  }
0x68: {  	_ =	shalt  }
0x69: {  	_ =	shalt  }
0x6a: {  	_ =	shalt  }
0x6b: {  	_ =	shalt  }
0x6c: {  	_ =	shalt  }
0x6d: {  	_ =	shalt  }
0x6e: {  	_ =	shalt  }
0x6f: {  	_ =	shalt  }
0x70: {  	_ =	shalt  }
0x71: {  	_ =	shalt  }
0x72: {  	_ =	shalt  }
0x73: {  	_ =	shalt  }
0x74: {  	_ =	shalt  }
0x75: {  	_ =	shalt  }
0x76: {  	_ =	shalt  }
0x77: {  	_ =	shalt  }
0x78: {  	_ =	shalt  }
0x79: {  	_ =	shalt  }
0x7a: {  	_ =	shalt  }
0x7b: {  	_ =	shalt  }
0x7c: {  	_ =	shalt  }
0x7d: {  	_ =	shalt  }
0x7e: {  	_ =	shalt  }
0x7f: {  	_ =	shalt  }
0x80: {  	_ =	shalt  }
0x81: {  	_ =	shalt  }
0x82: {  	_ =	shalt  }
0x83: {  	_ =	shalt  }
0x84: {  	_ =	shalt  }
0x85: {  	_ =	shalt  }
0x86: {  	_ =	shalt  }
0x87: {  	_ =	shalt  }
.Lfunc_end0:
.L_simem_size_0:
called_computation.1_lowered:
.L_overlay_start_0:
0x88: {  	s2 =	sld [smem:$0x3FD9]  }
0x89: {  	s3 =	sld [smem:$0x3FFE];
	_ =	sdelay $0x1  }
0x8a: {  	s1 =	srdreg.scid  }
0x8b: {  	s0 =	sand.u32 $0x1, s1  }
0x8c: {  	s16 =	sshll.u32 s0, $0xA;
	s2 =	sadd.s32 s3, s2  }
0x8d: {  	s2 =	sadd.s32 s2, s16  }
0x8e: {  	[smem:$0x3FC3] =	sst s2  }
0x8f: {  	_ = 	snop  }
0x90: {  	(tm) =	ssettm $0x1  }
0x91: {  	s17 =	sld [smem:$0x3FFB];
	_ =	sdelay $0x3  }
0x92: {  	_ =	strace s17  }
0x93: {  	s2 =	sld [smem:$0x3FFC];
	_ =	sdelay $0x3  }
0x94: {  	_ =	strace s2  }
0x95: {  	s2 =	sld [smem:$0x3FFD];
	_ =	sdelay $0x3  }
0x96: {  	_ =	strace s2  }
0x97: {  	_ =	strace $0x8FFFFFFF  }
0x98: {  	s18 =	sld [smem:$0x3FDB];
	_ =	sdelay $0x1  }
0x99: {  	s19 =	simm.s32 $_scs_section_size  }
0x9a: {  	s4 =	simm.s32 $_size__tile_overlayer_lowered;
	s5 =	simm.s32 $_tile_overlayer_lowered  }
0x9b: {  	s22 =	simm.s32 $0x1BFF;
	s21 =	sshll.u32 s5, $0x1;
	s2 =	sadd.s32 s19, s18  }
0x9c: {  	s6 =	simm.s32 $0x0;
	s20 =	sshll.u32 s4, $0x1;
	s4 =	sadd.s32 s21, s2  }
0x9d: {  	[timem:s6], [sflag:s22] =	dma.local [hbm:s4], s20  }
0x9e: {  	_ =	swait.ge [sflag:s22], s20  }
0x9f: {  	s3 =	ssub.s32 $0x0, s20;
	[sflag:s22] =	ssyncset.done $0x0  }
0xa0: {  	[sflag:s22] =	ssyncadd.s32 s3;
	_ =	sdelay $0x1  }
0xa1: {  	s23 =	simm.s32 $0x1B8B  }
0xa2: {  	_ =	swait.ge [sflag:s23], $0x1  }
0xa3: {  	[sflag:s23] =	ssyncset.done $0x0  }
0xa4: {  	s25 =	simm.s32 $0x1B8E;
	s24 =	sld [smem:$0x3FFE];
	[sflag:s23] =	ssyncadd.s32 $0xFFFFFFFF  }
0xa5: {  	s26 =	simm.s32 $execute0_lowered;
	[smem:$0x3FD2] =	sst s25  }
0xa6: {  	s4 =	sshll.u32 s26, $0x1;
	_ =	strace $0x80000049;
	[dreg:$0x1] =	wrdreg $0xFFFFFFFF  }
0xa7: {  	s28 =	simm.s32 $_size_execute0_lowered;
	s2 =	sadd.s32 s2, s4;
	[dreg:$0x0] =	wrdreg $0x0  }
0xa8: {  	s4 =	sshll.u32 s28, $0x1;
	[dreg:$0x2] =	wrdreg s2  }
0xa9: {  	[dreg:$0x3] =	wrdreg s4  }
0xaa: {  	[dreg:$0x4] =	wrdreg $0xC0  }
0xab: {  	_ =	task [dreg:s6], $0x5FFFF  }
0xac: {  	[dreg:$0x1] =	wrdreg $0xFFFFFFFF  }
0xad: {  	[dreg:$0x0] =	wrdreg $0x60  }
0xae: {  	[dreg:$0x2] =	wrdreg s24  }
0xaf: {  	[dreg:$0x3] =	wrdreg $0x67200  }
0xb0: {  	[dreg:$0x4] =	wrdreg $0x9  }
0xb1: {  	_ =	task.clear_ibuf [dreg:s6], $0x5FFFF;
	_ =	strace $0x90000049  }
0xb2: {  	s29 =	simm.s32 $0x9;
	_ =	strace $0x8000004B  }
0xb3: {  	_ =	swait.ge [sflag:s29], $0x1  }
0xb4: {  	[sflag:s29] =	ssyncadd.s32 $0xFFFFFFFF  }
0xb5: {  	_ =	strace $0x9000004B  }
0xb6: {  	_ =	sfence  }
0xb7: {  	s30 =	sld [smem:$0x0];
	_ =	sdelay $0x2  }
0xb8: {  	s31 =	sshll.u32 s1, $0xD;
	s1 =	sshrl.u32 s1, $0x2  }
0xb9: {  	s3 =	sand.u32 $0x4000, s31;
	s1 =	sadd.s32 s1, s30  }
0xba: {  	s0 =	sor.u32 s3, s0;
	s1 =	sshll.u32 s1, $0x11  }
0xbb: {  	s0 =	sor.u32 s1, s0  }
0xbc: {  	s0 =	sadd.s32 $0x8F2B, s0  }
0xbd: {  	[sflag:s0] =	ssyncadd.remote.s32 $0x1  }
0xbe: {  	_ =	sfence.sel $0xFFFF  }
0xbf: {  	[dreg:$0x0] =	wrdreg $0xFFFFFFFF;
	(pc) =	sbr.abs _section_cstart, $3  }
0xc0: {  	[dreg:$0x1] =	wrdreg $0xFFFFFFFF  }
0xc1: {  	_ =	task.clear_ibuf [dreg:s6], $0x2FFFF;
	_ =	strace $0x9FFFFFFF  }
0xc2: {  	(tm) =	ssettm $0x7FFFFFFF  }
0xc3: {  	_ =	shalt  }
tec
execute0_lowered:
.L_overlay_start_1:
0x0: {  	(tag) =	ssettag $0x1  }
0x1: {  	s0 =	srdreg.scid  }
0x2: {  	s10 =	stileid.u32;
	s5 =	rddreg [dreg:$0x0]  }
0x3: {  	s2 =	rddreg [dreg:$0x1];
	s3 =	simm.s32 $0x0;
	s14 =	simm.s32 $0xC  }
0x4: {  	s15 =	simm.s32 $0xD;
	s16 =	simm.s32 $0x50;
	s17 =	simm.s32 $0x4E20  }
0x5: {  	s18 =	simm.s32 $0x5320;
	s20 =	simm.s32 $0x5820;
	s22 =	simm.s32 $0x5D20  }
0x6: {  	s28 =	simm.s32 $0x6;
	s30 =	simm.s32 $0x2;
	s19 =	simm.s32 $0x3  }
0x7: {  	s31 =	simm.s32 $0x4;
	s21 =	simm.s32 $0x9;
	s29 =	simm.s32 $0xA  }
0x8: {  	s0 =	sand.u32 $0x1, s0;
	s1 =	sshll.u32 s10, $0x1;
	s6 =	smul.u32 $0x2780, s10  }
0x9: {  	[smem:$0x7FF] =	sst s3;
	s4 =	sadd.s32 $0x14400, s5;
	s1 =	sor.u32 s0, s1  }
0xa: {  	s7 =	smul.u32 $0x27800, s0;
	_ =	strace $0x8000004A;
	s0 =	ssub.s32 $0x2, s0  }
0xb: {  	s1 =	smul.u32 $0x4E2, s1;
	s8 =	sshrl.u32 s6, $0x3;
	s9 =	sshrl.u32 s0, $0x1  }
0xc: {  	s23 =	sadd.s32 s6, s2;
	s7 =	sadd.s32 s6, s7;
	s8 =	sadd.s32 s8, s5  }
0xd: {  	s0 =	ssub.s32 s0, s9;
	s6 =	sshll.u32 s10, $0x6;
	s12 =	sshrl.u32 s23, $0x3  }
0xe: {  	s23 =	simm.s32 $0xB;
	s1 =	sadd.s32 s1, s5;
	s7 =	sshrl.u32 s7, $0x3  }
0xf: {  	s24 =	sadd.s32 $0x19400, s8;
	s25 =	sor.u32 $0x1C0B, s6;
	s11 =	smax.u32 s0, $0x1  }
0x10: {  	s0 =	simm.s32 $0x5;
	s5 =	sadd.s32 s7, s5;
	[dreg:$0x3] =	wrdreg s24  }
0x11: {  	[dreg:$0x4] =	wrdreg s25;
	s26 =	sadd.s32 $0xA600, s1;
	s1 =	sadd.s32 $0x800, s1  }
0x12: {  	s25 =	simm.s32 $0x6220;
	s24 =	simm.s32 $0x8;
	[dreg:$0x5] =	wrdreg s26  }
0x13: {  	s7 =	simm.s32 $0x0;
	[dreg:$0x6] =	wrdreg s1;
	s10 =	sadd.s32 $0x1E400, s5  }
0x14: {  	s26 =	simm.s32 $0x1;
	s1 =	simm.s32 $0x7;
	s5 =	simm.s32 $0xE  }
.LBB2_1:
0x15: {  	s8 =	rddreg [dreg:$0x3]  }
0x16: {  	s9 =	rddreg [dreg:$0x4]  }
0x17: {  	[spmem:s12], [sflag:s9] =	dma.local [hbm:s8], $0x4F0  }
0x18: {  	s8 =	rddreg [dreg:$0x5]  }
0x19: {  	[tilespmem:s3], [sflag:$0xC] =	stream.linear.gather [hbm4b:s8+s3], $0x2710, $0x38;
	[tilespmem:$0x8EA0] =	vst v63  }
0x1a: {  	s9 =	simm.s32 $0x2710;
	s13 =	rddreg [dreg:$0x6]  }
0x1b: {  	[tilespmem:s9], [sflag:$0xD] =	stream.linear.gather [hbm4b:s13+s3], $0x2710, $0x38;
	[tilespmem:$0x8EA0] =	vst v63  }
0x1c: {  	_ =	swait.ge [sflag:s14], $0x2710  }
0x1d: {  	[sflag:s14] =	ssyncset.done $0x0  }
0x1e: {  	[sflag:s14] =	ssyncadd.s32 $0xFFFFD8F0  }
0x1f: {  	_ =	swait.ge [sflag:s15], $0x2710  }
0x20: {  	[sflag:s15] =	ssyncset.done $0x0  }
0x21: {  	[sflag:s15] =	ssyncadd.s32 $0xFFFFD8F0  }
0x22: {  	[tilespmem:s17], [sflag:$0x1] =	stream.indirect.gather [hbm4b:s4+s16], $0x10, s3, s16, $0xb8;
	[tilespmem:$0x8EA0] =	vst v63  }
0x23: {  	_ = 	snop  }
0x24: {  	[tilespmem:s18], [sflag:$0x2] =	stream.indirect.gather [hbm4b:s4+s16], $0x10, s16, s16, $0xb8;
	[tilespmem:$0x8EA0] =	vst v63  }
0x25: {  	s13 =	simm.s32 $0xA0  }
0x26: {  	[tilespmem:s20], [sflag:$0x3] =	stream.indirect.gather [hbm4b:s4+s16], $0x10, s13, s16, $0xb8;
	[tilespmem:$0x8EA0] =	vst v63  }
0x27: {  	s13 =	simm.s32 $0xF0  }
0x28: {  	[tilespmem:s22], [sflag:$0x4] =	stream.indirect.gather [hbm4b:s4+s16], $0x10, s13, s16, $0xb8;
	[tilespmem:$0x8EA0] =	vst v63  }
0x29: {  	_ =	swait.ge [sflag:s23], $0x4F0  }
0x2a: {  	[sflag:s23] =	ssyncset.done $0x0  }
0x2b: {  	[sflag:s23] =	ssyncadd.s32 $0xFFFFFB10  }
0x2c: {  	s13 =	simm.s32 $0x140;
	[bflag:$0x0] =	sbarrier.arrive $0xFFFF  }
0x2d: {  	[tilespmem:s25], [sflag:$0x5] =	stream.indirect.gather [hbm4b:s4+s16], $0x10, s13, s16, $0xb8;
	[tilespmem:$0x8EA0] =	vst v63  }
0x2e: {  	_ =	swait.ge [sflag:s26], $0x500  }
0x2f: {  	[sflag:s26] =	ssyncset.done $0x0  }
0x30: {  	[sflag:s26] =	ssyncadd.s32 $0xFFFFFB00  }
0x31: {  	[spmem:s2] =	stream.indirect.scatter.add.f32 [tilespmem:s17], [sflag:$0x6], $0x10, s9, s16, $0xb8;
	[tilespmem:$0x8EA0] =	vst v63  }
0x32: {  	_ =	swait.ge [sflag:s28], $0x500  }
0x33: {  	[sflag:s28] =	ssyncset.done $0x0  }
0x34: {  	s13 =	simm.s32 $0x190;
	[sflag:s28] =	ssyncadd.s32 $0xFFFFFB00  }
0x35: {  	[tilespmem:s17], [sflag:$0x1] =	stream.indirect.gather [hbm4b:s4+s16], $0x10, s13, s16, $0xb8;
	[tilespmem:$0x8EA0] =	vst v63  }
0x36: {  	_ =	swait.ge [sflag:s30], $0x500  }
0x37: {  	[sflag:s30] =	ssyncset.done $0x0  }
0x38: {  	s9 =	simm.s32 $0x2760;
	[sflag:s30] =	ssyncadd.s32 $0xFFFFFB00  }
0x39: {  	[spmem:s2] =	stream.indirect.scatter.add.f32 [tilespmem:s18], [sflag:$0x7], $0x10, s9, s16, $0xb8;
	[tilespmem:$0x8EA0] =	vst v63  }
0x3a: {  	_ =	swait.ge [sflag:s1], $0x500  }
0x3b: {  	[sflag:s1] =	ssyncset.done $0x0  }
0x3c: {  	s13 =	simm.s32 $0x1E0;
	[sflag:s1] =	ssyncadd.s32 $0xFFFFFB00  }
0x3d: {  	[tilespmem:s18], [sflag:$0x2] =	stream.indirect.gather [hbm4b:s4+s16], $0x10, s13, s16, $0xb8;
	[tilespmem:$0x8EA0] =	vst v63  }
0x3e: {  	_ =	swait.ge [sflag:s19], $0x500  }
0x3f: {  	[sflag:s19] =	ssyncset.done $0x0  }
0x40: {  	s9 =	simm.s32 $0x27B0;
	[sflag:s19] =	ssyncadd.s32 $0xFFFFFB00  }
0x41: {  	[spmem:s2] =	stream.indirect.scatter.add.f32 [tilespmem:s20], [sflag:$0x8], $0x10, s9, s16, $0xb8;
	[tilespmem:$0x8EA0] =	vst v63  }
0x42: {  	_ =	swait.ge [sflag:s24], $0x500  }
0x43: {  	[sflag:s24] =	ssyncset.done $0x0  }
0x44: {  	s13 =	simm.s32 $0x230;
	[sflag:s24] =	ssyncadd.s32 $0xFFFFFB00  }
0x45: {  	[tilespmem:s20], [sflag:$0x3] =	stream.indirect.gather [hbm4b:s4+s16], $0x10, s13, s16, $0xb8;
	[tilespmem:$0x8EA0] =	vst v63  }
0x46: {  	_ =	swait.ge [sflag:s31], $0x500  }
0x47: {  	[sflag:s31] =	ssyncset.done $0x0  }
0x48: {  	s9 =	simm.s32 $0x2800;
	[sflag:s31] =	ssyncadd.s32 $0xFFFFFB00  }
0x49: {  	[spmem:s2] =	stream.indirect.scatter.add.f32 [tilespmem:s22], [sflag:$0x9], $0x10, s9, s16, $0xb8;
	[tilespmem:$0x8EA0] =	vst v63  }
0x4a: {  	_ =	swait.ge [sflag:s21], $0x500  }
0x4b: {  	[sflag:s21] =	ssyncset.done $0x0  }
0x4c: {  	s13 =	simm.s32 $0x280;
	[sflag:s21] =	ssyncadd.s32 $0xFFFFFB00  }
0x4d: {  	[tilespmem:s22], [sflag:$0x4] =	stream.indirect.gather [hbm4b:s4+s16], $0x10, s13, s16, $0xb8;
	[tilespmem:$0x8EA0] =	vst v63  }
0x4e: {  	_ =	swait.ge [sflag:s0], $0x500  }
0x4f: {  	[sflag:s0] =	ssyncset.done $0x0  }
0x50: {  	s9 =	simm.s32 $0x2850;
	[sflag:s0] =	ssyncadd.s32 $0xFFFFFB00  }
0x51: {  	[spmem:s2] =	stream.indirect.scatter.add.f32 [tilespmem:s25], [sflag:$0xA], $0x10, s9, s16, $0xb8;
	[tilespmem:$0x8EA0] =	vst v63  }
0x52: {  	_ =	swait.ge [sflag:s29], $0x500  }
0x53: {  	[sflag:s29] =	ssyncset.done $0x0  }
0x54: {  	s13 =	simm.s32 $0x2D0;
	[sflag:s29] =	ssyncadd.s32 $0xFFFFFB00  }
0x55: {  	[tilespmem:s25], [sflag:$0x5] =	stream.indirect.gather [hbm4b:s4+s16], $0x10, s13, s16, $0xb8;
	[tilespmem:$0x8EA0] =	vst v63  }
0x56: {  	_ =	swait.ge [sflag:s26], $0x500  }
0x57: {  	[sflag:s26] =	ssyncset.done $0x0  }
0x58: {  	s9 =	simm.s32 $0x28A0;
	[sflag:s26] =	ssyncadd.s32 $0xFFFFFB00  }
0x59: {  	[spmem:s2] =	stream.indirect.scatter.add.f32 [tilespmem:s17], [sflag:$0x6], $0x10, s9, s16, $0xb8;
	[tilespmem:$0x8EA0] =	vst v63  }
0x5a: {  	_ =	swait.ge [sflag:s28], $0x500  }
0x5b: {  	[sflag:s28] =	ssyncset.done $0x0  }
0x5c: {  	s13 =	simm.s32 $0x320;
	[sflag:s28] =	ssyncadd.s32 $0xFFFFFB00  }
0x5d: {  	[tilespmem:s17], [sflag:$0x1] =	stream.indirect.gather [hbm4b:s4+s16], $0x10, s13, s16, $0xb8;
	[tilespmem:$0x8EA0] =	vst v63  }
0x5e: {  	_ =	swait.ge [sflag:s30], $0x500  }
0x5f: {  	[sflag:s30] =	ssyncset.done $0x0  }
0x60: {  	s9 =	simm.s32 $0x28F0;
	[sflag:s30] =	ssyncadd.s32 $0xFFFFFB00  }
0x61: {  	[spmem:s2] =	stream.indirect.scatter.add.f32 [tilespmem:s18], [sflag:$0x7], $0x10, s9, s16, $0xb8;
	[tilespmem:$0x8EA0] =	vst v63  }
0x62: {  	_ =	swait.ge [sflag:s1], $0x500  }
0x63: {  	[sflag:s1] =	ssyncset.done $0x0  }
0x64: {  	s13 =	simm.s32 $0x370;
	[sflag:s1] =	ssyncadd.s32 $0xFFFFFB00  }
0x65: {  	[tilespmem:s18], [sflag:$0x2] =	stream.indirect.gather [hbm4b:s4+s16], $0x10, s13, s16, $0xb8;
	[tilespmem:$0x8EA0] =	vst v63  }
0x66: {  	_ =	swait.ge [sflag:s19], $0x500  }
0x67: {  	[sflag:s19] =	ssyncset.done $0x0  }
0x68: {  	s9 =	simm.s32 $0x2940;
	[sflag:s19] =	ssyncadd.s32 $0xFFFFFB00  }
0x69: {  	[spmem:s2] =	stream.indirect.scatter.add.f32 [tilespmem:s20], [sflag:$0x8], $0x10, s9, s16, $0xb8;
	[tilespmem:$0x8EA0] =	vst v63  }
0x6a: {  	_ =	swait.ge [sflag:s24], $0x500  }
0x6b: {  	[sflag:s24] =	ssyncset.done $0x0  }
0x6c: {  	s13 =	simm.s32 $0x3C0;
	[sflag:s24] =	ssyncadd.s32 $0xFFFFFB00  }
0x6d: {  	[tilespmem:s20], [sflag:$0x3] =	stream.indirect.gather [hbm4b:s4+s16], $0x10, s13, s16, $0xb8;
	[tilespmem:$0x8EA0] =	vst v63  }
0x6e: {  	_ =	swait.ge [sflag:s31], $0x500  }
0x6f: {  	[sflag:s31] =	ssyncset.done $0x0  }
0x70: {  	s9 =	simm.s32 $0x2990;
	[sflag:s31] =	ssyncadd.s32 $0xFFFFFB00  }
0x71: {  	[spmem:s2] =	stream.indirect.scatter.add.f32 [tilespmem:s22], [sflag:$0x9], $0x10, s9, s16, $0xb8;
	[tilespmem:$0x8EA0] =	vst v63  }
0x72: {  	_ =	swait.ge [sflag:s21], $0x500  }
0x73: {  	[sflag:s21] =	ssyncset.done $0x0  }
0x74: {  	s13 =	simm.s32 $0x410;
	[sflag:s21] =	ssyncadd.s32 $0xFFFFFB00  }
0x75: {  	[tilespmem:s22], [sflag:$0x4] =	stream.indirect.gather [hbm4b:s4+s16], $0x10, s13, s16, $0xb8;
	[tilespmem:$0x8EA0] =	vst v63  }
0x76: {  	_ =	swait.ge [sflag:s0], $0x500  }
0x77: {  	[sflag:s0] =	ssyncset.done $0x0  }
0x78: {  	s8 =	simm.s32 $0x640;
	s13 =	simm.s32 $0x29E0;
	[sflag:s0] =	ssyncadd.s32 $0xFFFFFB00  }
.LBB2_2:
0x79: {  	[spmem:s2] =	stream.indirect.scatter.add.f32 [tilespmem:s25], [sflag:$0xA], $0x10, s13, s16, $0xb8;
	[tilespmem:$0x8EA0] =	vst v63  }
0x7a: {  	s13 =	smov.u32 s8;
	s8 =	sadd.s32 $0x640, s8;
	_ =	swait.ge [sflag:s29], $0x500  }
0x7b: {  	s13 =	sshra.s32 s13, $0x2;
	p0 =	sne.s32 s8, $0x8FC0;
	[sflag:s29] =	ssyncset.done $0x0  }
0x7c: {  	s9 =	sadd.s32 $0x2D0, s13;
	[sflag:s29] =	ssyncadd.s32 $0xFFFFFB00  }
0x7d: {  	[tilespmem:s25], [sflag:$0x5] =	stream.indirect.gather [hbm4b:s4+s16], $0x10, s9, s16, $0xb8;
	[tilespmem:$0x8EA0] =	vst v63  }
0x7e: {  	_ =	swait.ge [sflag:s26], $0x500  }
0x7f: {  	[sflag:s26] =	ssyncset.done $0x0  }
0x80: {  	s9 =	sadd.s32 $0x28A0, s13;
	[sflag:s26] =	ssyncadd.s32 $0xFFFFFB00  }
0x81: {  	[spmem:s2] =	stream.indirect.scatter.add.f32 [tilespmem:s17], [sflag:$0x6], $0x10, s9, s16, $0xb8;
	[tilespmem:$0x8EA0] =	vst v63  }
0x82: {  	_ =	swait.ge [sflag:s28], $0x500  }
0x83: {  	[sflag:s28] =	ssyncset.done $0x0  }
0x84: {  	s9 =	sadd.s32 $0x320, s13;
	[sflag:s28] =	ssyncadd.s32 $0xFFFFFB00  }
0x85: {  	[tilespmem:s17], [sflag:$0x1] =	stream.indirect.gather [hbm4b:s4+s16], $0x10, s9, s16, $0xb8;
	[tilespmem:$0x8EA0] =	vst v63  }
0x86: {  	_ =	swait.ge [sflag:s30], $0x500  }
0x87: {  	[sflag:s30] =	ssyncset.done $0x0  }
0x88: {  	s9 =	sadd.s32 $0x28F0, s13;
	[sflag:s30] =	ssyncadd.s32 $0xFFFFFB00  }
0x89: {  	[spmem:s2] =	stream.indirect.scatter.add.f32 [tilespmem:s18], [sflag:$0x7], $0x10, s9, s16, $0xb8;
	[tilespmem:$0x8EA0] =	vst v63  }
0x8a: {  	_ =	swait.ge [sflag:s1], $0x500  }
0x8b: {  	[sflag:s1] =	ssyncset.done $0x0  }
0x8c: {  	s9 =	sadd.s32 $0x370, s13;
	[sflag:s1] =	ssyncadd.s32 $0xFFFFFB00  }
0x8d: {  	[tilespmem:s18], [sflag:$0x2] =	stream.indirect.gather [hbm4b:s4+s16], $0x10, s9, s16, $0xb8;
	[tilespmem:$0x8EA0] =	vst v63  }
0x8e: {  	_ =	swait.ge [sflag:s19], $0x500  }
0x8f: {  	[sflag:s19] =	ssyncset.done $0x0  }
0x90: {  	s9 =	sadd.s32 $0x2940, s13;
	[sflag:s19] =	ssyncadd.s32 $0xFFFFFB00  }
0x91: {  	[spmem:s2] =	stream.indirect.scatter.add.f32 [tilespmem:s20], [sflag:$0x8], $0x10, s9, s16, $0xb8;
	[tilespmem:$0x8EA0] =	vst v63  }
0x92: {  	_ =	swait.ge [sflag:s24], $0x500  }
0x93: {  	[sflag:s24] =	ssyncset.done $0x0  }
0x94: {  	s9 =	sadd.s32 $0x3C0, s13;
	[sflag:s24] =	ssyncadd.s32 $0xFFFFFB00  }
0x95: {  	[tilespmem:s20], [sflag:$0x3] =	stream.indirect.gather [hbm4b:s4+s16], $0x10, s9, s16, $0xb8;
	[tilespmem:$0x8EA0] =	vst v63  }
0x96: {  	_ =	swait.ge [sflag:s31], $0x500  }
0x97: {  	[sflag:s31] =	ssyncset.done $0x0  }
0x98: {  	s9 =	sadd.s32 $0x2990, s13;
	[sflag:s31] =	ssyncadd.s32 $0xFFFFFB00  }
0x99: {  	[spmem:s2] =	stream.indirect.scatter.add.f32 [tilespmem:s22], [sflag:$0x9], $0x10, s9, s16, $0xb8;
	[tilespmem:$0x8EA0] =	vst v63  }
0x9a: {  	_ =	swait.ge [sflag:s21], $0x500  }
0x9b: {  	[sflag:s21] =	ssyncset.done $0x0  }
.Ltmp0:
0x9c: {  	s9 =	sadd.s32 $0x410, s13;
	[sflag:s21] =	ssyncadd.s32 $0xFFFFFB00;
	(pc) =	sbr.rel @p0 .LBB2_2-.Ltmp0, $4  }
0x9d: {  	[tilespmem:s22], [sflag:$0x4] =	stream.indirect.gather [hbm4b:s4+s16], $0x10, s9, s16, $0xb8;
	[tilespmem:$0x8EA0] =	vst v63  }
0x9e: {  	_ =	swait.ge [sflag:s0], $0x500  }
0x9f: {  	[sflag:s0] =	ssyncset.done $0x0  }
0xa0: {  	s13 =	sadd.s32 $0x29E0, s13;
	[sflag:s0] =	ssyncadd.s32 $0xFFFFFB00  }
0xa1: {  	[spmem:s2] =	stream.indirect.scatter.add.f32 [tilespmem:s25], [sflag:$0xA], $0x10, s13, s16, $0xb8;
	[tilespmem:$0x8EA0] =	vst v63  }
0xa2: {  	_ =	swait.ge [sflag:s29], $0x500  }
0xa3: {  	s8 =	sshra.s32 s8, $0x2;
	[sflag:s29] =	ssyncset.done $0x0  }
0xa4: {  	s9 =	sadd.s32 $0x2D0, s8;
	[sflag:s29] =	ssyncadd.s32 $0xFFFFFB00  }
0xa5: {  	[tilespmem:s25], [sflag:$0x5] =	stream.indirect.gather [hbm4b:s4+s16], $0x10, s9, s16, $0xb8;
	[tilespmem:$0x8EA0] =	vst v63  }
0xa6: {  	_ =	swait.ge [sflag:s26], $0x500  }
0xa7: {  	[sflag:s26] =	ssyncset.done $0x0  }
0xa8: {  	s13 =	sadd.s32 $0x28A0, s8;
	[sflag:s26] =	ssyncadd.s32 $0xFFFFFB00  }
0xa9: {  	[spmem:s2] =	stream.indirect.scatter.add.f32 [tilespmem:s17], [sflag:$0x6], $0x10, s13, s16, $0xb8;
	[tilespmem:$0x8EA0] =	vst v63  }
0xaa: {  	_ =	swait.ge [sflag:s30], $0x500  }
0xab: {  	[sflag:s30] =	ssyncset.done $0x0  }
0xac: {  	s13 =	sadd.s32 $0x28F0, s8;
	[sflag:s30] =	ssyncadd.s32 $0xFFFFFB00  }
0xad: {  	[spmem:s2] =	stream.indirect.scatter.add.f32 [tilespmem:s18], [sflag:$0x7], $0x10, s13, s16, $0xb8;
	[tilespmem:$0x8EA0] =	vst v63  }
0xae: {  	_ =	swait.ge [sflag:s19], $0x500  }
0xaf: {  	[sflag:s19] =	ssyncset.done $0x0  }
0xb0: {  	s13 =	sadd.s32 $0x2940, s8;
	[sflag:s19] =	ssyncadd.s32 $0xFFFFFB00  }
0xb1: {  	[spmem:s2] =	stream.indirect.scatter.add.f32 [tilespmem:s20], [sflag:$0x8], $0x10, s13, s16, $0xb8;
	[tilespmem:$0x8EA0] =	vst v63  }
0xb2: {  	_ =	swait.ge [sflag:s31], $0x500  }
0xb3: {  	[sflag:s31] =	ssyncset.done $0x0  }
0xb4: {  	s13 =	sadd.s32 $0x2990, s8;
	[sflag:s31] =	ssyncadd.s32 $0xFFFFFB00  }
0xb5: {  	[spmem:s2] =	stream.indirect.scatter.add.f32 [tilespmem:s22], [sflag:$0x9], $0x10, s13, s16, $0xb8;
	[tilespmem:$0x8EA0] =	vst v63  }
0xb6: {  	_ =	swait.ge [sflag:s0], $0x500  }
0xb7: {  	[sflag:s0] =	ssyncset.done $0x0  }
0xb8: {  	s8 =	sadd.s32 $0x29E0, s8;
	[sflag:s0] =	ssyncadd.s32 $0xFFFFFB00  }
0xb9: {  	[spmem:s2] =	stream.indirect.scatter.add.f32 [tilespmem:s25], [sflag:$0xA], $0x10, s8, s16, $0xb8;
	[tilespmem:$0x8EA0] =	vst v63  }
0xba: {  	_ =	swait.ge [sflag:s28], $0x500  }
0xbb: {  	[sflag:s28] =	ssyncset.done $0x0  }
0xbc: {  	[sflag:s28] =	ssyncadd.s32 $0xFFFFFB00  }
0xbd: {  	_ =	swait.ge [sflag:s1], $0x500  }
0xbe: {  	[sflag:s1] =	ssyncset.done $0x0  }
0xbf: {  	[sflag:s1] =	ssyncadd.s32 $0xFFFFFB00  }
0xc0: {  	_ =	swait.ge [sflag:s24], $0x500  }
0xc1: {  	[sflag:s24] =	ssyncset.done $0x0  }
0xc2: {  	[sflag:s24] =	ssyncadd.s32 $0xFFFFFB00  }
0xc3: {  	_ =	swait.ge [sflag:s21], $0x500  }
0xc4: {  	[sflag:s21] =	ssyncset.done $0x0  }
0xc5: {  	[sflag:s21] =	ssyncadd.s32 $0xFFFFFB00  }
0xc6: {  	_ =	swait.ge [sflag:s29], $0x500  }
0xc7: {  	s7 =	sadd.s32 $0x1, s7;
	[sflag:s29] =	ssyncset.done $0x0  }
0xc8: {  	p0 =	sne.s32 s7, s11;
	[sflag:s29] =	ssyncadd.s32 $0xFFFFFB00  }
.Ltmp1:
0xc9: {  	s13 =	sor.u32 $0x1C0E, s6;
	[bflag:$0x0] =	sbarrier.arrive $0xFFFF;
	(pc) =	sbr.rel @p0 .LBB2_1-.Ltmp1, $4  }
0xca: {  	[hbm:s10], [sflag:s13] =	dma.local [spmem:s12], $0x4F0  }
0xcb: {  	_ =	swait.ge [sflag:s5], $0x4F0  }
0xcc: {  	[sflag:s5] =	ssyncset.done $0x0  }
0xcd: {  	[sflag:s5] =	ssyncadd.s32 $0xFFFFFB10  }
0xce: {  	_ =	sfence.sel $0x180000  }
0xcf: {  	[bflag:$0x0] =	sbarrier.arrive $0xFFFF  }
0xd0: {  	_ =	strace $0x9000004A  }
0xd1: {  	s0 =	stileid.u32;
	[bflag:$0x2] =	sbarrier.arrive $0xFFFF  }
0xd2: {  	p0 =	sne.s32 s0, $0x0;
	s0 =	rddreg [dreg:$0x2]  }
0xd3: {  	s0 =	sadd.s32 @!p0 $0x100000, s0  }
0xd4: {  	[sflag:s0] =	ssyncadd.tile.s32 @!p0 $0x1;
	_ =	shalt  }
.Lfunc_end2:
_tile_overlayer_lowered:
.L_overlay_start_2:
0xd5: {  	(tag) =	ssettag $0x2  }
0xd6: {  	s0 =	rddreg [dreg:$0x0];
	s2 =	stileid.u32  }
0xd7: {  	s1 =	rddreg [dreg:$0x1];
	p0 =	sne.s32 s2, $0x0  }
0xd8: {  	s3 =	rddreg [dreg:$0x2];
	[bflag:$0x3] =	sbarrier.arrive $0xFFFF;
	s2 =	simm.s32 @!p0 $0x1C0E  }
0xd9: {  	[timem:s3], [sflag:s2] =	dma.local @!p0 [hbm:s0], s1  }
0xda: {  	s0 =	simm.s32 @!p0 $0xE  }
0xdb: {  	_ =	swait.ge @!p0 [sflag:s0], s1  }
0xdc: {  	s1 =	ssub.s32 @!p0 $0x0, s1;
	[sflag:s0] =	ssyncset.done @!p0 $0x0  }
0xdd: {  	[sflag:s0] =	ssyncadd.s32 @!p0 s1  }
0xde: {  	[bflag:$0x3] =	sbarrier.arrive $0xFFFF  }
0xdf: {  	_ =	shalt  }

// kernel: kernel.7.cloned.1.call-start
scs
__scs_entry_jumppad:
0x0: {  	(pc) =	sbr.rel $0x88, $3  }
0x1: {  	(tag) =	ssettag $0x0;
	lr =	simm.s32 $0x1  }
0x2: {  	[smem:$0x3F9C] =	sst lr;
	_ =	strace $0xD0000000  }
0x3: {  	_ = 	snop  }
0x4: {  	_ = 	snop  }
0x5: {  	_ = 	snop  }
0x6: {  	_ = 	snop  }
0x7: {  	_ = 	snop  }
__scs_overlays_trampoline_lowered:
0x8: {  	[smem:$0x3FAB] =	sst s0  }
0x9: {  	[smem:$0x3FAC] =	sst s1  }
0xa: {  	[smem:$0x3FAD] =	sst s2  }
0xb: {  	[smem:$0x3FAE] =	sst s3  }
0xc: {  	[smem:$0x3FAF] =	sst s4  }
0xd: {  	[smem:$0x3FB0] =	sst s5  }
0xe: {  	[smem:$0x3FB1] =	sst s6  }
0xf: {  	[smem:$0x3FB2] =	sst s7  }
0x10: {  	[smem:$0x3FB3] =	sst s8  }
0x11: {  	[smem:$0x3FB4] =	sst s9;
	s0 =	simm.s32 @!p0 $0x0  }
0x12: {  	s1 =	sld [smem:$0x3F9A];
	s0 =	simm.s32 @p0 $0x1  }
0x13: {  	[smem:$0x3FB5] =	sst s0;
	s0 =	simm.s32 @!p1 $0x0  }
0x14: {  	s2 =	sld [smem:$0x3F99];
	s0 =	simm.s32 @p1 $0x1  }
0x15: {  	[smem:$0x3FB6] =	sst s0;
	s0 =	simm.s32 @!p2 $0x0  }
0x16: {  	s3 =	sld [smem:$0x3FDB];
	s0 =	simm.s32 @p2 $0x1  }
0x17: {  	s4 =	simm.s32 $0x1BF5;
	[smem:$0x3FB8] =	sst s0  }
0x18: {  	s0 =	sld [smem:$0x3F9B];
	_ =	swait.ge [sflag:s4], $0x0  }
0x19: {  	s7 =	sld [smem:$0x3F9C]  }
0x1a: {  	s8 =	sadd.s32 $0xFFFFE003, lr  }
0x1b: {  	s9 =	sadd.s32 $0xFFFFFEF7, lr;
	s5 =	simm.s32 $0xFFFFFFFF;
	p2 =	slt.u32 s8, $0xFFFFF086  }
0x1c: {  	p1 =	slt.u32 s9, $0xF7A;
	s5 =	simm.s32 @!p2 $0x0  }
0x1d: {  	s5 =	simm.s32 @p1 $0x1;
	p0 =	seq.s32 s7, s2  }
0x1e: {  	s7 =	smul.u32 @!p0 $0xF7A, s2;
	p2 =	seq.s32 @!p0 s5, $0x0  }
0x1f: {  	s9 =	smul.u32 $0xF7A, s1;
	s8 =	simm.s32 @!p0 $0x1BF5;
	p2 =	por !p2, p0  }
0x20: {  	[sflag:s8] =	ssyncset.s32 @!p0 $0xFFFFF086;
	s6 =	sadd.s32 @!p0 s3, s7;
	s7 =	simm.s32 @!p0 $0x108  }
0x21: {  	s3 =	sadd.s32 s3, s9;
	s6 =	sadd.s32 @!p0 $0x88, s6;
	s7 =	simm.s32 @p2 $0x1082  }
0x22: {  	[simem:s7], [sflag:s8] =	dma.local @!p0 [hbm:s6], $0xF7A  }
0x23: {  	s9 =	sor.u32 $0xD0000000, s2;
	s6 =	simm.s32 $0x108;
	_ =	swait.ge @!p0 [sflag:s8], $0x0  }
0x24: {  	s3 =	sadd.s32 $0x88, s3;
	s6 =	simm.s32 @!p1 $0x1082;
	[sflag:s4] =	ssyncset.s32 $0xFFFFF086  }
0x25: {  	[simem:s6], [sflag:s4] =	dma.local [hbm:s3], $0xF7A  }
0x26: {  	[smem:$0x3F9C] =	sst s1;
	(tag) =	ssettag s2;
	_ =	strace s9  }
0x27: {  	s1 =	sld [smem:$0x3FAC]  }
0x28: {  	s2 =	sld [smem:$0x3FAD]  }
0x29: {  	s4 =	sld [smem:$0x3FAF]  }
0x2a: {  	p0 =	seq.s32 s5, $0x0;
	s5 =	sld [smem:$0x3FB0]  }
0x2b: {  	s6 =	sld [smem:$0x3FB1]  }
0x2c: {  	s7 =	sld [smem:$0x3FB2]  }
0x2d: {  	s3 =	simm.s32 $0x108;
	s8 =	sld [smem:$0x3FB3]  }
0x2e: {  	s3 =	simm.s32 @!p0 $0x1082;
	s9 =	sld [smem:$0x3FB4]  }
0x2f: {  	lr =	sadd.s32 s0, s3;
	s0 =	sld [smem:$0x3FAB]  }
0x30: {  	s3 =	sld [smem:$0x3FAE]  }
0x31: {  	[smem:$0x3FB7] =	sst s10  }
0x32: {  	s10 =	sld [smem:$0x3FB5];
	_ =	sdelay $0x3  }
0x33: {  	p0 =	seq.s32 s10, $0x1;
	s10 =	sld [smem:$0x3FB7];
	_ =	sdelay $0x3  }
0x34: {  	[smem:$0x3FB7] =	sst s10  }
0x35: {  	s10 =	sld [smem:$0x3FB6];
	_ =	sdelay $0x3  }
0x36: {  	p1 =	seq.s32 s10, $0x1;
	s10 =	sld [smem:$0x3FB7];
	_ =	sdelay $0x3  }
0x37: {  	[smem:$0x3FB7] =	sst s10  }
0x38: {  	s10 =	sld [smem:$0x3FB8]  }
0x39: {  	_ = 	snop;
	(pc) =	sbr.ind lr, $3  }
0x3a: {  	_ = 	snop  }
0x3b: {  	_ = 	snop  }
0x3c: {  	p2 =	seq.s32 s10, $0x1;
	s10 =	sld [smem:$0x3FB7]  }
0x3d: {  	_ =	shalt  }
0x3e: {  	_ =	shalt  }
0x3f: {  	_ =	shalt  }
0x40: {  	_ =	shalt  }
0x41: {  	_ =	shalt  }
0x42: {  	_ =	shalt  }
0x43: {  	_ =	shalt  }
0x44: {  	_ =	shalt  }
0x45: {  	_ =	shalt  }
0x46: {  	_ =	shalt  }
0x47: {  	_ =	shalt  }
0x48: {  	_ =	shalt  }
0x49: {  	_ =	shalt  }
0x4a: {  	_ =	shalt  }
0x4b: {  	_ =	shalt  }
0x4c: {  	_ =	shalt  }
0x4d: {  	_ =	shalt  }
0x4e: {  	_ =	shalt  }
0x4f: {  	_ =	shalt  }
0x50: {  	_ =	shalt  }
0x51: {  	_ =	shalt  }
0x52: {  	_ =	shalt  }
0x53: {  	_ =	shalt  }
0x54: {  	_ =	shalt  }
0x55: {  	_ =	shalt  }
0x56: {  	_ =	shalt  }
0x57: {  	_ =	shalt  }
0x58: {  	_ =	shalt  }
0x59: {  	_ =	shalt  }
0x5a: {  	_ =	shalt  }
0x5b: {  	_ =	shalt  }
0x5c: {  	_ =	shalt  }
0x5d: {  	_ =	shalt  }
0x5e: {  	_ =	shalt  }
0x5f: {  	_ =	shalt  }
0x60: {  	_ =	shalt  }
0x61: {  	_ =	shalt  }
0x62: {  	_ =	shalt  }
0x63: {  	_ =	shalt  }
0x64: {  	_ =	shalt  }
0x65: {  	_ =	shalt  }
0x66: {  	_ =	shalt  }
0x67: {  	_ =	shalt  }
0x68: {  	_ =	shalt  }
0x69: {  	_ =	shalt  }
0x6a: {  	_ =	shalt  }
0x6b: {  	_ =	shalt  }
0x6c: {  	_ =	shalt  }
0x6d: {  	_ =	shalt  }
0x6e: {  	_ =	shalt  }
0x6f: {  	_ =	shalt  }
0x70: {  	_ =	shalt  }
0x71: {  	_ =	shalt  }
0x72: {  	_ =	shalt  }
0x73: {  	_ =	shalt  }
0x74: {  	_ =	shalt  }
0x75: {  	_ =	shalt  }
0x76: {  	_ =	shalt  }
0x77: {  	_ =	shalt  }
0x78: {  	_ =	shalt  }
0x79: {  	_ =	shalt  }
0x7a: {  	_ =	shalt  }
0x7b: {  	_ =	shalt  }
0x7c: {  	_ =	shalt  }
0x7d: {  	_ =	shalt  }
0x7e: {  	_ =	shalt  }
0x7f: {  	_ =	shalt  }
0x80: {  	_ =	shalt  }
0x81: {  	_ =	shalt  }
0x82: {  	_ =	shalt  }
0x83: {  	_ =	shalt  }
0x84: {  	_ =	shalt  }
0x85: {  	_ =	shalt  }
0x86: {  	_ =	shalt  }
0x87: {  	_ =	shalt  }
.Lfunc_end0:
.L_simem_size_0:
called_computation_lowered:
.L_overlay_start_0:
0x88: {  	s2 =	sld [smem:$0x3FD9]  }
0x89: {  	s3 =	sld [smem:$0x3FFE];
	_ =	sdelay $0x1  }
0x8a: {  	s1 =	srdreg.scid  }
0x8b: {  	s0 =	sand.u32 $0x1, s1  }
0x8c: {  	s16 =	sshll.u32 s0, $0xA;
	s2 =	sadd.s32 s3, s2  }
0x8d: {  	s2 =	sadd.s32 s2, s16  }
0x8e: {  	[smem:$0x3FC3] =	sst s2  }
0x8f: {  	_ = 	snop  }
0x90: {  	(tm) =	ssettm $0x1  }
0x91: {  	s17 =	sld [smem:$0x3FFB];
	_ =	sdelay $0x3  }
0x92: {  	_ =	strace s17  }
0x93: {  	s2 =	sld [smem:$0x3FFC];
	_ =	sdelay $0x3  }
0x94: {  	_ =	strace s2  }
0x95: {  	s2 =	sld [smem:$0x3FFD];
	_ =	sdelay $0x3  }
0x96: {  	_ =	strace s2  }
0x97: {  	_ =	strace $0x8FFFFFFF  }
0x98: {  	s18 =	sld [smem:$0x3FDB];
	_ =	sdelay $0x1  }
0x99: {  	s19 =	simm.s32 $_scs_section_size  }
0x9a: {  	s4 =	simm.s32 $_size__tile_overlayer_lowered;
	s5 =	simm.s32 $_tile_overlayer_lowered  }
0x9b: {  	s22 =	simm.s32 $0x1BFF;
	s21 =	sshll.u32 s5, $0x1;
	s2 =	sadd.s32 s19, s18  }
0x9c: {  	s6 =	simm.s32 $0x0;
	s20 =	sshll.u32 s4, $0x1;
	s4 =	sadd.s32 s21, s2  }
0x9d: {  	[timem:s6], [sflag:s22] =	dma.local [hbm:s4], s20  }
0x9e: {  	_ =	swait.ge [sflag:s22], s20  }
0x9f: {  	s3 =	ssub.s32 $0x0, s20;
	[sflag:s22] =	ssyncset.done $0x0  }
0xa0: {  	[sflag:s22] =	ssyncadd.s32 s3;
	_ =	sdelay $0x1  }
0xa1: {  	s23 =	simm.s32 $0x1B8B  }
0xa2: {  	_ =	swait.ge [sflag:s23], $0x1  }
0xa3: {  	[sflag:s23] =	ssyncset.done $0x0  }
0xa4: {  	s25 =	simm.s32 $0x1B8E;
	s24 =	sld [smem:$0x3FFE];
	[sflag:s23] =	ssyncadd.s32 $0xFFFFFFFF  }
0xa5: {  	s26 =	simm.s32 $execute0_lowered;
	[smem:$0x3FD2] =	sst s25  }
0xa6: {  	s4 =	sshll.u32 s26, $0x1;
	_ =	strace $0x80000046;
	[dreg:$0x1] =	wrdreg $0xFFFFFFFF  }
0xa7: {  	s28 =	simm.s32 $_size_execute0_lowered;
	s2 =	sadd.s32 s2, s4;
	[dreg:$0x0] =	wrdreg $0x0  }
0xa8: {  	s4 =	sshll.u32 s28, $0x1;
	[dreg:$0x2] =	wrdreg s2  }
0xa9: {  	[dreg:$0x3] =	wrdreg s4  }
0xaa: {  	[dreg:$0x4] =	wrdreg $0xC0  }
0xab: {  	_ =	task [dreg:s6], $0x5FFFF  }
0xac: {  	[dreg:$0x1] =	wrdreg $0xFFFFFFFF  }
0xad: {  	[dreg:$0x0] =	wrdreg $0x60  }
0xae: {  	[dreg:$0x2] =	wrdreg s24  }
0xaf: {  	[dreg:$0x3] =	wrdreg $0x67200  }
0xb0: {  	[dreg:$0x4] =	wrdreg $0x9  }
0xb1: {  	_ =	task.clear_ibuf [dreg:s6], $0x5FFFF;
	_ =	strace $0x90000046  }
0xb2: {  	s29 =	simm.s32 $0x9;
	_ =	strace $0x80000048  }
0xb3: {  	_ =	swait.ge [sflag:s29], $0x1  }
0xb4: {  	[sflag:s29] =	ssyncadd.s32 $0xFFFFFFFF  }
0xb5: {  	_ =	strace $0x90000048  }
0xb6: {  	_ =	sfence  }
0xb7: {  	s30 =	sld [smem:$0x0];
	_ =	sdelay $0x2  }
0xb8: {  	s31 =	sshll.u32 s1, $0xD;
	s1 =	sshrl.u32 s1, $0x2  }
0xb9: {  	s3 =	sand.u32 $0x4000, s31;
	s1 =	sadd.s32 s1, s30  }
0xba: {  	s0 =	sor.u32 s3, s0;
	s1 =	sshll.u32 s1, $0x11  }
0xbb: {  	s0 =	sor.u32 s1, s0  }
0xbc: {  	s0 =	sadd.s32 $0x8F2B, s0  }
0xbd: {  	[sflag:s0] =	ssyncadd.remote.s32 $0x1  }
0xbe: {  	_ =	sfence.sel $0xFFFF  }
0xbf: {  	[dreg:$0x0] =	wrdreg $0xFFFFFFFF;
	(pc) =	sbr.abs _section_cstart, $3  }
0xc0: {  	[dreg:$0x1] =	wrdreg $0xFFFFFFFF  }
0xc1: {  	_ =	task.clear_ibuf [dreg:s6], $0x2FFFF;
	_ =	strace $0x9FFFFFFF  }
0xc2: {  	(tm) =	ssettm $0x7FFFFFFF  }
0xc3: {  	_ =	shalt  }
tec
execute0_lowered:
.L_overlay_start_1:
0x0: {  	(tag) =	ssettag $0x1  }
0x1: {  	s0 =	srdreg.scid  }
0x2: {  	s10 =	stileid.u32;
	s5 =	rddreg [dreg:$0x0]  }
0x3: {  	s2 =	rddreg [dreg:$0x1];
	s3 =	simm.s32 $0x0;
	s14 =	simm.s32 $0xC  }
0x4: {  	s15 =	simm.s32 $0xD;
	s16 =	simm.s32 $0x50;
	s17 =	simm.s32 $0x4E20  }
0x5: {  	s18 =	simm.s32 $0x5320;
	s20 =	simm.s32 $0x5820;
	s22 =	simm.s32 $0x5D20  }
0x6: {  	s28 =	simm.s32 $0x6;
	s30 =	simm.s32 $0x2;
	s19 =	simm.s32 $0x3  }
0x7: {  	s31 =	simm.s32 $0x4;
	s21 =	simm.s32 $0x9;
	s29 =	simm.s32 $0xA  }
0x8: {  	s0 =	sand.u32 $0x1, s0;
	s1 =	sshll.u32 s10, $0x1;
	s6 =	smul.u32 $0x2780, s10  }
0x9: {  	[smem:$0x7FF] =	sst s3;
	s4 =	sadd.s32 $0x14400, s5;
	s1 =	sor.u32 s0, s1  }
0xa: {  	s7 =	smul.u32 $0x27800, s0;
	_ =	strace $0x80000047;
	s0 =	ssub.s32 $0x2, s0  }
0xb: {  	s1 =	smul.u32 $0x4E2, s1;
	s8 =	sshrl.u32 s6, $0x3;
	s9 =	sshrl.u32 s0, $0x1  }
0xc: {  	s23 =	sadd.s32 s6, s2;
	s7 =	sadd.s32 s6, s7;
	s8 =	sadd.s32 s8, s5  }
0xd: {  	s0 =	ssub.s32 s0, s9;
	s6 =	sshll.u32 s10, $0x6;
	s12 =	sshrl.u32 s23, $0x3  }
0xe: {  	s23 =	simm.s32 $0xB;
	s1 =	sadd.s32 s1, s5;
	s7 =	sshrl.u32 s7, $0x3  }
0xf: {  	s24 =	sadd.s32 $0x19400, s8;
	s25 =	sor.u32 $0x1C0B, s6;
	s11 =	smax.u32 s0, $0x1  }
0x10: {  	s0 =	simm.s32 $0x5;
	s5 =	sadd.s32 s7, s5;
	[dreg:$0x3] =	wrdreg s24  }
0x11: {  	[dreg:$0x4] =	wrdreg s25;
	s26 =	sadd.s32 $0xA600, s1;
	s1 =	sadd.s32 $0x800, s1  }
0x12: {  	s25 =	simm.s32 $0x6220;
	s24 =	simm.s32 $0x8;
	[dreg:$0x5] =	wrdreg s26  }
0x13: {  	s7 =	simm.s32 $0x0;
	[dreg:$0x6] =	wrdreg s1;
	s10 =	sadd.s32 $0x1E400, s5  }
0x14: {  	s26 =	simm.s32 $0x1;
	s1 =	simm.s32 $0x7;
	s5 =	simm.s32 $0xE  }
.LBB2_1:
0x15: {  	s8 =	rddreg [dreg:$0x3]  }
0x16: {  	s9 =	rddreg [dreg:$0x4]  }
0x17: {  	[spmem:s12], [sflag:s9] =	dma.local [hbm:s8], $0x4F0  }
0x18: {  	s8 =	rddreg [dreg:$0x5]  }
0x19: {  	[tilespmem:s3], [sflag:$0xC] =	stream.linear.gather [hbm4b:s8+s3], $0x2710, $0x38;
	[tilespmem:$0x8EA0] =	vst v63  }
0x1a: {  	s9 =	simm.s32 $0x2710;
	s13 =	rddreg [dreg:$0x6]  }
0x1b: {  	[tilespmem:s9], [sflag:$0xD] =	stream.linear.gather [hbm4b:s13+s3], $0x2710, $0x38;
	[tilespmem:$0x8EA0] =	vst v63  }
0x1c: {  	_ =	swait.ge [sflag:s14], $0x2710  }
0x1d: {  	[sflag:s14] =	ssyncset.done $0x0  }
0x1e: {  	[sflag:s14] =	ssyncadd.s32 $0xFFFFD8F0  }
0x1f: {  	_ =	swait.ge [sflag:s15], $0x2710  }
0x20: {  	[sflag:s15] =	ssyncset.done $0x0  }
0x21: {  	[sflag:s15] =	ssyncadd.s32 $0xFFFFD8F0  }
0x22: {  	[tilespmem:s17], [sflag:$0x1] =	stream.indirect.gather [hbm4b:s4+s16], $0x10, s3, s16, $0xb8;
	[tilespmem:$0x8EA0] =	vst v63  }
0x23: {  	_ = 	snop  }
0x24: {  	[tilespmem:s18], [sflag:$0x2] =	stream.indirect.gather [hbm4b:s4+s16], $0x10, s16, s16, $0xb8;
	[tilespmem:$0x8EA0] =	vst v63  }
0x25: {  	s13 =	simm.s32 $0xA0  }
0x26: {  	[tilespmem:s20], [sflag:$0x3] =	stream.indirect.gather [hbm4b:s4+s16], $0x10, s13, s16, $0xb8;
	[tilespmem:$0x8EA0] =	vst v63  }
0x27: {  	s13 =	simm.s32 $0xF0  }
0x28: {  	[tilespmem:s22], [sflag:$0x4] =	stream.indirect.gather [hbm4b:s4+s16], $0x10, s13, s16, $0xb8;
	[tilespmem:$0x8EA0] =	vst v63  }
0x29: {  	_ =	swait.ge [sflag:s23], $0x4F0  }
0x2a: {  	[sflag:s23] =	ssyncset.done $0x0  }
0x2b: {  	[sflag:s23] =	ssyncadd.s32 $0xFFFFFB10  }
0x2c: {  	s13 =	simm.s32 $0x140;
	[bflag:$0x0] =	sbarrier.arrive $0xFFFF  }
0x2d: {  	[tilespmem:s25], [sflag:$0x5] =	stream.indirect.gather [hbm4b:s4+s16], $0x10, s13, s16, $0xb8;
	[tilespmem:$0x8EA0] =	vst v63  }
0x2e: {  	_ =	swait.ge [sflag:s26], $0x500  }
0x2f: {  	[sflag:s26] =	ssyncset.done $0x0  }
0x30: {  	[sflag:s26] =	ssyncadd.s32 $0xFFFFFB00  }
0x31: {  	[spmem:s2] =	stream.indirect.scatter.add.f32 [tilespmem:s17], [sflag:$0x6], $0x10, s9, s16, $0xb8;
	[tilespmem:$0x8EA0] =	vst v63  }
0x32: {  	_ =	swait.ge [sflag:s28], $0x500  }
0x33: {  	[sflag:s28] =	ssyncset.done $0x0  }
0x34: {  	s13 =	simm.s32 $0x190;
	[sflag:s28] =	ssyncadd.s32 $0xFFFFFB00  }
0x35: {  	[tilespmem:s17], [sflag:$0x1] =	stream.indirect.gather [hbm4b:s4+s16], $0x10, s13, s16, $0xb8;
	[tilespmem:$0x8EA0] =	vst v63  }
0x36: {  	_ =	swait.ge [sflag:s30], $0x500  }
0x37: {  	[sflag:s30] =	ssyncset.done $0x0  }
0x38: {  	s9 =	simm.s32 $0x2760;
	[sflag:s30] =	ssyncadd.s32 $0xFFFFFB00  }
0x39: {  	[spmem:s2] =	stream.indirect.scatter.add.f32 [tilespmem:s18], [sflag:$0x7], $0x10, s9, s16, $0xb8;
	[tilespmem:$0x8EA0] =	vst v63  }
0x3a: {  	_ =	swait.ge [sflag:s1], $0x500  }
0x3b: {  	[sflag:s1] =	ssyncset.done $0x0  }
0x3c: {  	s13 =	simm.s32 $0x1E0;
	[sflag:s1] =	ssyncadd.s32 $0xFFFFFB00  }
0x3d: {  	[tilespmem:s18], [sflag:$0x2] =	stream.indirect.gather [hbm4b:s4+s16], $0x10, s13, s16, $0xb8;
	[tilespmem:$0x8EA0] =	vst v63  }
0x3e: {  	_ =	swait.ge [sflag:s19], $0x500  }
0x3f: {  	[sflag:s19] =	ssyncset.done $0x0  }
0x40: {  	s9 =	simm.s32 $0x27B0;
	[sflag:s19] =	ssyncadd.s32 $0xFFFFFB00  }
0x41: {  	[spmem:s2] =	stream.indirect.scatter.add.f32 [tilespmem:s20], [sflag:$0x8], $0x10, s9, s16, $0xb8;
	[tilespmem:$0x8EA0] =	vst v63  }
0x42: {  	_ =	swait.ge [sflag:s24], $0x500  }
0x43: {  	[sflag:s24] =	ssyncset.done $0x0  }
0x44: {  	s13 =	simm.s32 $0x230;
	[sflag:s24] =	ssyncadd.s32 $0xFFFFFB00  }
0x45: {  	[tilespmem:s20], [sflag:$0x3] =	stream.indirect.gather [hbm4b:s4+s16], $0x10, s13, s16, $0xb8;
	[tilespmem:$0x8EA0] =	vst v63  }
0x46: {  	_ =	swait.ge [sflag:s31], $0x500  }
0x47: {  	[sflag:s31] =	ssyncset.done $0x0  }
0x48: {  	s9 =	simm.s32 $0x2800;
	[sflag:s31] =	ssyncadd.s32 $0xFFFFFB00  }
0x49: {  	[spmem:s2] =	stream.indirect.scatter.add.f32 [tilespmem:s22], [sflag:$0x9], $0x10, s9, s16, $0xb8;
	[tilespmem:$0x8EA0] =	vst v63  }
0x4a: {  	_ =	swait.ge [sflag:s21], $0x500  }
0x4b: {  	[sflag:s21] =	ssyncset.done $0x0  }
0x4c: {  	s13 =	simm.s32 $0x280;
	[sflag:s21] =	ssyncadd.s32 $0xFFFFFB00  }
0x4d: {  	[tilespmem:s22], [sflag:$0x4] =	stream.indirect.gather [hbm4b:s4+s16], $0x10, s13, s16, $0xb8;
	[tilespmem:$0x8EA0] =	vst v63  }
0x4e: {  	_ =	swait.ge [sflag:s0], $0x500  }
0x4f: {  	[sflag:s0] =	ssyncset.done $0x0  }
0x50: {  	s9 =	simm.s32 $0x2850;
	[sflag:s0] =	ssyncadd.s32 $0xFFFFFB00  }
0x51: {  	[spmem:s2] =	stream.indirect.scatter.add.f32 [tilespmem:s25], [sflag:$0xA], $0x10, s9, s16, $0xb8;
	[tilespmem:$0x8EA0] =	vst v63  }
0x52: {  	_ =	swait.ge [sflag:s29], $0x500  }
0x53: {  	[sflag:s29] =	ssyncset.done $0x0  }
0x54: {  	s13 =	simm.s32 $0x2D0;
	[sflag:s29] =	ssyncadd.s32 $0xFFFFFB00  }
0x55: {  	[tilespmem:s25], [sflag:$0x5] =	stream.indirect.gather [hbm4b:s4+s16], $0x10, s13, s16, $0xb8;
	[tilespmem:$0x8EA0] =	vst v63  }
0x56: {  	_ =	swait.ge [sflag:s26], $0x500  }
0x57: {  	[sflag:s26] =	ssyncset.done $0x0  }
0x58: {  	s9 =	simm.s32 $0x28A0;
	[sflag:s26] =	ssyncadd.s32 $0xFFFFFB00  }
0x59: {  	[spmem:s2] =	stream.indirect.scatter.add.f32 [tilespmem:s17], [sflag:$0x6], $0x10, s9, s16, $0xb8;
	[tilespmem:$0x8EA0] =	vst v63  }
0x5a: {  	_ =	swait.ge [sflag:s28], $0x500  }
0x5b: {  	[sflag:s28] =	ssyncset.done $0x0  }
0x5c: {  	s13 =	simm.s32 $0x320;
	[sflag:s28] =	ssyncadd.s32 $0xFFFFFB00  }
0x5d: {  	[tilespmem:s17], [sflag:$0x1] =	stream.indirect.gather [hbm4b:s4+s16], $0x10, s13, s16, $0xb8;
	[tilespmem:$0x8EA0] =	vst v63  }
0x5e: {  	_ =	swait.ge [sflag:s30], $0x500  }
0x5f: {  	[sflag:s30] =	ssyncset.done $0x0  }
0x60: {  	s9 =	simm.s32 $0x28F0;
	[sflag:s30] =	ssyncadd.s32 $0xFFFFFB00  }
0x61: {  	[spmem:s2] =	stream.indirect.scatter.add.f32 [tilespmem:s18], [sflag:$0x7], $0x10, s9, s16, $0xb8;
	[tilespmem:$0x8EA0] =	vst v63  }
0x62: {  	_ =	swait.ge [sflag:s1], $0x500  }
0x63: {  	[sflag:s1] =	ssyncset.done $0x0  }
0x64: {  	s13 =	simm.s32 $0x370;
	[sflag:s1] =	ssyncadd.s32 $0xFFFFFB00  }
0x65: {  	[tilespmem:s18], [sflag:$0x2] =	stream.indirect.gather [hbm4b:s4+s16], $0x10, s13, s16, $0xb8;
	[tilespmem:$0x8EA0] =	vst v63  }
0x66: {  	_ =	swait.ge [sflag:s19], $0x500  }
0x67: {  	[sflag:s19] =	ssyncset.done $0x0  }
0x68: {  	s9 =	simm.s32 $0x2940;
	[sflag:s19] =	ssyncadd.s32 $0xFFFFFB00  }
0x69: {  	[spmem:s2] =	stream.indirect.scatter.add.f32 [tilespmem:s20], [sflag:$0x8], $0x10, s9, s16, $0xb8;
	[tilespmem:$0x8EA0] =	vst v63  }
0x6a: {  	_ =	swait.ge [sflag:s24], $0x500  }
0x6b: {  	[sflag:s24] =	ssyncset.done $0x0  }
0x6c: {  	s13 =	simm.s32 $0x3C0;
	[sflag:s24] =	ssyncadd.s32 $0xFFFFFB00  }
0x6d: {  	[tilespmem:s20], [sflag:$0x3] =	stream.indirect.gather [hbm4b:s4+s16], $0x10, s13, s16, $0xb8;
	[tilespmem:$0x8EA0] =	vst v63  }
0x6e: {  	_ =	swait.ge [sflag:s31], $0x500  }
0x6f: {  	[sflag:s31] =	ssyncset.done $0x0  }
0x70: {  	s9 =	simm.s32 $0x2990;
	[sflag:s31] =	ssyncadd.s32 $0xFFFFFB00  }
0x71: {  	[spmem:s2] =	stream.indirect.scatter.add.f32 [tilespmem:s22], [sflag:$0x9], $0x10, s9, s16, $0xb8;
	[tilespmem:$0x8EA0] =	vst v63  }
0x72: {  	_ =	swait.ge [sflag:s21], $0x500  }
0x73: {  	[sflag:s21] =	ssyncset.done $0x0  }
0x74: {  	s13 =	simm.s32 $0x410;
	[sflag:s21] =	ssyncadd.s32 $0xFFFFFB00  }
0x75: {  	[tilespmem:s22], [sflag:$0x4] =	stream.indirect.gather [hbm4b:s4+s16], $0x10, s13, s16, $0xb8;
	[tilespmem:$0x8EA0] =	vst v63  }
0x76: {  	_ =	swait.ge [sflag:s0], $0x500  }
0x77: {  	[sflag:s0] =	ssyncset.done $0x0  }
0x78: {  	s8 =	simm.s32 $0x640;
	s13 =	simm.s32 $0x29E0;
	[sflag:s0] =	ssyncadd.s32 $0xFFFFFB00  }
.LBB2_2:
0x79: {  	[spmem:s2] =	stream.indirect.scatter.add.f32 [tilespmem:s25], [sflag:$0xA], $0x10, s13, s16, $0xb8;
	[tilespmem:$0x8EA0] =	vst v63  }
0x7a: {  	s13 =	smov.u32 s8;
	s8 =	sadd.s32 $0x640, s8;
	_ =	swait.ge [sflag:s29], $0x500  }
0x7b: {  	s13 =	sshra.s32 s13, $0x2;
	p0 =	sne.s32 s8, $0x8FC0;
	[sflag:s29] =	ssyncset.done $0x0  }
0x7c: {  	s9 =	sadd.s32 $0x2D0, s13;
	[sflag:s29] =	ssyncadd.s32 $0xFFFFFB00  }
0x7d: {  	[tilespmem:s25], [sflag:$0x5] =	stream.indirect.gather [hbm4b:s4+s16], $0x10, s9, s16, $0xb8;
	[tilespmem:$0x8EA0] =	vst v63  }
0x7e: {  	_ =	swait.ge [sflag:s26], $0x500  }
0x7f: {  	[sflag:s26] =	ssyncset.done $0x0  }
0x80: {  	s9 =	sadd.s32 $0x28A0, s13;
	[sflag:s26] =	ssyncadd.s32 $0xFFFFFB00  }
0x81: {  	[spmem:s2] =	stream.indirect.scatter.add.f32 [tilespmem:s17], [sflag:$0x6], $0x10, s9, s16, $0xb8;
	[tilespmem:$0x8EA0] =	vst v63  }
0x82: {  	_ =	swait.ge [sflag:s28], $0x500  }
0x83: {  	[sflag:s28] =	ssyncset.done $0x0  }
0x84: {  	s9 =	sadd.s32 $0x320, s13;
	[sflag:s28] =	ssyncadd.s32 $0xFFFFFB00  }
0x85: {  	[tilespmem:s17], [sflag:$0x1] =	stream.indirect.gather [hbm4b:s4+s16], $0x10, s9, s16, $0xb8;
	[tilespmem:$0x8EA0] =	vst v63  }
0x86: {  	_ =	swait.ge [sflag:s30], $0x500  }
0x87: {  	[sflag:s30] =	ssyncset.done $0x0  }
0x88: {  	s9 =	sadd.s32 $0x28F0, s13;
	[sflag:s30] =	ssyncadd.s32 $0xFFFFFB00  }
0x89: {  	[spmem:s2] =	stream.indirect.scatter.add.f32 [tilespmem:s18], [sflag:$0x7], $0x10, s9, s16, $0xb8;
	[tilespmem:$0x8EA0] =	vst v63  }
0x8a: {  	_ =	swait.ge [sflag:s1], $0x500  }
0x8b: {  	[sflag:s1] =	ssyncset.done $0x0  }
0x8c: {  	s9 =	sadd.s32 $0x370, s13;
	[sflag:s1] =	ssyncadd.s32 $0xFFFFFB00  }
0x8d: {  	[tilespmem:s18], [sflag:$0x2] =	stream.indirect.gather [hbm4b:s4+s16], $0x10, s9, s16, $0xb8;
	[tilespmem:$0x8EA0] =	vst v63  }
0x8e: {  	_ =	swait.ge [sflag:s19], $0x500  }
0x8f: {  	[sflag:s19] =	ssyncset.done $0x0  }
0x90: {  	s9 =	sadd.s32 $0x2940, s13;
	[sflag:s19] =	ssyncadd.s32 $0xFFFFFB00  }
0x91: {  	[spmem:s2] =	stream.indirect.scatter.add.f32 [tilespmem:s20], [sflag:$0x8], $0x10, s9, s16, $0xb8;
	[tilespmem:$0x8EA0] =	vst v63  }
0x92: {  	_ =	swait.ge [sflag:s24], $0x500  }
0x93: {  	[sflag:s24] =	ssyncset.done $0x0  }
0x94: {  	s9 =	sadd.s32 $0x3C0, s13;
	[sflag:s24] =	ssyncadd.s32 $0xFFFFFB00  }
0x95: {  	[tilespmem:s20], [sflag:$0x3] =	stream.indirect.gather [hbm4b:s4+s16], $0x10, s9, s16, $0xb8;
	[tilespmem:$0x8EA0] =	vst v63  }
0x96: {  	_ =	swait.ge [sflag:s31], $0x500  }
0x97: {  	[sflag:s31] =	ssyncset.done $0x0  }
0x98: {  	s9 =	sadd.s32 $0x2990, s13;
	[sflag:s31] =	ssyncadd.s32 $0xFFFFFB00  }
0x99: {  	[spmem:s2] =	stream.indirect.scatter.add.f32 [tilespmem:s22], [sflag:$0x9], $0x10, s9, s16, $0xb8;
	[tilespmem:$0x8EA0] =	vst v63  }
0x9a: {  	_ =	swait.ge [sflag:s21], $0x500  }
0x9b: {  	[sflag:s21] =	ssyncset.done $0x0  }
.Ltmp0:
0x9c: {  	s9 =	sadd.s32 $0x410, s13;
	[sflag:s21] =	ssyncadd.s32 $0xFFFFFB00;
	(pc) =	sbr.rel @p0 .LBB2_2-.Ltmp0, $4  }
0x9d: {  	[tilespmem:s22], [sflag:$0x4] =	stream.indirect.gather [hbm4b:s4+s16], $0x10, s9, s16, $0xb8;
	[tilespmem:$0x8EA0] =	vst v63  }
0x9e: {  	_ =	swait.ge [sflag:s0], $0x500  }
0x9f: {  	[sflag:s0] =	ssyncset.done $0x0  }
0xa0: {  	s13 =	sadd.s32 $0x29E0, s13;
	[sflag:s0] =	ssyncadd.s32 $0xFFFFFB00  }
0xa1: {  	[spmem:s2] =	stream.indirect.scatter.add.f32 [tilespmem:s25], [sflag:$0xA], $0x10, s13, s16, $0xb8;
	[tilespmem:$0x8EA0] =	vst v63  }
0xa2: {  	_ =	swait.ge [sflag:s29], $0x500  }
0xa3: {  	s8 =	sshra.s32 s8, $0x2;
	[sflag:s29] =	ssyncset.done $0x0  }
0xa4: {  	s9 =	sadd.s32 $0x2D0, s8;
	[sflag:s29] =	ssyncadd.s32 $0xFFFFFB00  }
0xa5: {  	[tilespmem:s25], [sflag:$0x5] =	stream.indirect.gather [hbm4b:s4+s16], $0x10, s9, s16, $0xb8;
	[tilespmem:$0x8EA0] =	vst v63  }
0xa6: {  	_ =	swait.ge [sflag:s26], $0x500  }
0xa7: {  	[sflag:s26] =	ssyncset.done $0x0  }
0xa8: {  	s13 =	sadd.s32 $0x28A0, s8;
	[sflag:s26] =	ssyncadd.s32 $0xFFFFFB00  }
0xa9: {  	[spmem:s2] =	stream.indirect.scatter.add.f32 [tilespmem:s17], [sflag:$0x6], $0x10, s13, s16, $0xb8;
	[tilespmem:$0x8EA0] =	vst v63  }
0xaa: {  	_ =	swait.ge [sflag:s30], $0x500  }
0xab: {  	[sflag:s30] =	ssyncset.done $0x0  }
0xac: {  	s13 =	sadd.s32 $0x28F0, s8;
	[sflag:s30] =	ssyncadd.s32 $0xFFFFFB00  }
0xad: {  	[spmem:s2] =	stream.indirect.scatter.add.f32 [tilespmem:s18], [sflag:$0x7], $0x10, s13, s16, $0xb8;
	[tilespmem:$0x8EA0] =	vst v63  }
0xae: {  	_ =	swait.ge [sflag:s19], $0x500  }
0xaf: {  	[sflag:s19] =	ssyncset.done $0x0  }
0xb0: {  	s13 =	sadd.s32 $0x2940, s8;
	[sflag:s19] =	ssyncadd.s32 $0xFFFFFB00  }
0xb1: {  	[spmem:s2] =	stream.indirect.scatter.add.f32 [tilespmem:s20], [sflag:$0x8], $0x10, s13, s16, $0xb8;
	[tilespmem:$0x8EA0] =	vst v63  }
0xb2: {  	_ =	swait.ge [sflag:s31], $0x500  }
0xb3: {  	[sflag:s31] =	ssyncset.done $0x0  }
0xb4: {  	s13 =	sadd.s32 $0x2990, s8;
	[sflag:s31] =	ssyncadd.s32 $0xFFFFFB00  }
0xb5: {  	[spmem:s2] =	stream.indirect.scatter.add.f32 [tilespmem:s22], [sflag:$0x9], $0x10, s13, s16, $0xb8;
	[tilespmem:$0x8EA0] =	vst v63  }
0xb6: {  	_ =	swait.ge [sflag:s0], $0x500  }
0xb7: {  	[sflag:s0] =	ssyncset.done $0x0  }
0xb8: {  	s8 =	sadd.s32 $0x29E0, s8;
	[sflag:s0] =	ssyncadd.s32 $0xFFFFFB00  }
0xb9: {  	[spmem:s2] =	stream.indirect.scatter.add.f32 [tilespmem:s25], [sflag:$0xA], $0x10, s8, s16, $0xb8;
	[tilespmem:$0x8EA0] =	vst v63  }
0xba: {  	_ =	swait.ge [sflag:s28], $0x500  }
0xbb: {  	[sflag:s28] =	ssyncset.done $0x0  }
0xbc: {  	[sflag:s28] =	ssyncadd.s32 $0xFFFFFB00  }
0xbd: {  	_ =	swait.ge [sflag:s1], $0x500  }
0xbe: {  	[sflag:s1] =	ssyncset.done $0x0  }
0xbf: {  	[sflag:s1] =	ssyncadd.s32 $0xFFFFFB00  }
0xc0: {  	_ =	swait.ge [sflag:s24], $0x500  }
0xc1: {  	[sflag:s24] =	ssyncset.done $0x0  }
0xc2: {  	[sflag:s24] =	ssyncadd.s32 $0xFFFFFB00  }
0xc3: {  	_ =	swait.ge [sflag:s21], $0x500  }
0xc4: {  	[sflag:s21] =	ssyncset.done $0x0  }
0xc5: {  	[sflag:s21] =	ssyncadd.s32 $0xFFFFFB00  }
0xc6: {  	_ =	swait.ge [sflag:s29], $0x500  }
0xc7: {  	s7 =	sadd.s32 $0x1, s7;
	[sflag:s29] =	ssyncset.done $0x0  }
0xc8: {  	p0 =	sne.s32 s7, s11;
	[sflag:s29] =	ssyncadd.s32 $0xFFFFFB00  }
.Ltmp1:
0xc9: {  	s13 =	sor.u32 $0x1C0E, s6;
	[bflag:$0x0] =	sbarrier.arrive $0xFFFF;
	(pc) =	sbr.rel @p0 .LBB2_1-.Ltmp1, $4  }
0xca: {  	[hbm:s10], [sflag:s13] =	dma.local [spmem:s12], $0x4F0  }
0xcb: {  	_ =	swait.ge [sflag:s5], $0x4F0  }
0xcc: {  	[sflag:s5] =	ssyncset.done $0x0  }
0xcd: {  	[sflag:s5] =	ssyncadd.s32 $0xFFFFFB10  }
0xce: {  	_ =	sfence.sel $0x180000  }
0xcf: {  	[bflag:$0x0] =	sbarrier.arrive $0xFFFF  }
0xd0: {  	_ =	strace $0x90000047  }
0xd1: {  	s0 =	stileid.u32;
	[bflag:$0x2] =	sbarrier.arrive $0xFFFF  }
0xd2: {  	p0 =	sne.s32 s0, $0x0;
	s0 =	rddreg [dreg:$0x2]  }
0xd3: {  	s0 =	sadd.s32 @!p0 $0x100000, s0  }
0xd4: {  	[sflag:s0] =	ssyncadd.tile.s32 @!p0 $0x1;
	_ =	shalt  }
.Lfunc_end2:
_tile_overlayer_lowered:
.L_overlay_start_2:
0xd5: {  	(tag) =	ssettag $0x2  }
0xd6: {  	s0 =	rddreg [dreg:$0x0];
	s2 =	stileid.u32  }
0xd7: {  	s1 =	rddreg [dreg:$0x1];
	p0 =	sne.s32 s2, $0x0  }
0xd8: {  	s3 =	rddreg [dreg:$0x2];
	[bflag:$0x3] =	sbarrier.arrive $0xFFFF;
	s2 =	simm.s32 @!p0 $0x1C0E  }
0xd9: {  	[timem:s3], [sflag:s2] =	dma.local @!p0 [hbm:s0], s1  }
0xda: {  	s0 =	simm.s32 @!p0 $0xE  }
0xdb: {  	_ =	swait.ge @!p0 [sflag:s0], s1  }
0xdc: {  	s1 =	ssub.s32 @!p0 $0x0, s1;
	[sflag:s0] =	ssyncset.done @!p0 $0x0  }
0xdd: {  	[sflag:s0] =	ssyncadd.s32 @!p0 s1  }
0xde: {  	[bflag:$0x3] =	sbarrier.arrive $0xFFFF  }
0xdf: {  	_ =	shalt  }

</sc_bundles>
